<compile_context>
chip_gen: v7x
topology: tpu7x:2x2x1
jax: 0.10.2.dev20260603
libtpu: 0.0.44.dev20260713+nightly
codegen_flags: <defaults>
</compile_context>

<pallas_src>
import functools

import jax
import jax.numpy as jnp
from jax import lax
from jax.experimental import pallas as pl
from jax.experimental.pallas import tpu as pltpu
from jax.experimental.pallas import tpu_sc as plsc

_N = 4194304
_PHASE_BINS = 64
_MAG_BINS = 1024
_TWO_PI_OVER_P = 2.0 * 3.141592653589793 / _PHASE_BINS
_INV_MM1 = 1.0 / (_MAG_BINS - 1)

_NC = 2
_NS = 16
_NW = _NC * _NS
_LANES = 16
_PER_W = _N // _NW
_CHUNK = 4096
_NCHUNK = _PER_W // _CHUNK
_NPAIRS = _NCHUNK // 2


def _sc_body(cp_hbm, cm_hbm, sp_hbm, sm_hbm, cos_hbm, sin_hbm, mag_hbm,
             phase_hbm, mago_hbm, sig_hbm, part_hbm, gp_hbm, gm_hbm,
             *scratch):
    ins = (scratch[0:4], scratch[4:8])
    outs = (scratch[8:13], scratch[13:18])
    cosv, sinv, magv, accv = scratch[18:22]
    in_sems = scratch[22:24]
    out_sems = scratch[24:26]
    in_hbm = (cp_hbm, cm_hbm, sp_hbm, sm_hbm)
    out_hbm = (phase_hbm, mago_hbm, sig_hbm, gp_hbm, gm_hbm)

    wid = lax.axis_index("c") * _NS + lax.axis_index("s")
    base = wid * _PER_W

    pltpu.sync_copy(cos_hbm, cosv)
    pltpu.sync_copy(sin_hbm, sinv)
    pltpu.sync_copy(mag_hbm, magv)

    def start_in(g, b):
        sl = pl.ds(base + g * _CHUNK, _CHUNK)
        for hbm, buf in zip(in_hbm, ins[b]):
            pltpu.async_copy(hbm.at[sl], buf, in_sems[b])

    def wait_in(b):
        for hbm, buf in zip(in_hbm, ins[b]):
            pltpu.make_async_copy(hbm.at[pl.ds(0, _CHUNK)], buf,
                                  in_sems[b]).wait()

    def start_out(g, b):
        sl = pl.ds(base + g * _CHUNK, _CHUNK)
        for hbm, buf in zip(out_hbm, outs[b]):
            pltpu.async_copy(buf, hbm.at[sl], out_sems[b])

    def wait_out(b):
        for hbm, buf in zip(out_hbm, outs[b]):
            pltpu.make_async_copy(buf, hbm.at[pl.ds(0, _CHUNK)],
                                  out_sems[b]).wait()

    def compute(b, acc):
        cpv, cmv, spv, smv = ins[b]
        pov, mov, sigv, gpv, gmv = outs[b]

        @plsc.parallel_loop(0, _CHUNK, step=_LANES, unroll=2, carry=acc)
        def vec_loop(i, acc_in):
            vs = pl.ds(i, _LANES)
            p = (cpv[vs] + spv[vs]) & (_PHASE_BINS - 1)
            mg = (cmv[vs] + smv[vs]) & (_MAG_BINS - 1)
            pov[vs] = p
            mov[vs] = mg
            c = plsc.load_gather(cosv, [p])
            s = plsc.load_gather(sinv, [p])
            m = plsc.load_gather(magv, [mg])
            sig = c * m
            sigv[vs] = sig
            gpv[vs] = (s * m) * (-_TWO_PI_OVER_P)
            gmv[vs] = sig * _INV_MM1
            return acc_in + sig

        return vec_loop

    start_in(0, 0)

    def pair_body(tt, acc):
        g0 = 2 * tt
        start_in(g0 + 1, 1)
        wait_in(0)

        @pl.when(tt > 0)
        def _():
            wait_out(0)

        acc0 = compute(0, acc)
        start_out(g0, 0)

        @pl.when(tt < _NPAIRS - 1)
        def _():
            start_in(g0 + 2, 0)

        wait_in(1)

        @pl.when(tt > 0)
        def _():
            wait_out(1)

        acc1 = compute(1, acc0)
        start_out(g0 + 1, 1)
        return acc1

    acc = lax.fori_loop(0, _NPAIRS, pair_body,
                        jnp.zeros((_LANES,), jnp.float32))
    wait_out(0)
    wait_out(1)
    accv[...] = acc
    pltpu.sync_copy(accv, part_hbm.at[wid])


_sc_call = functools.partial(
    pl.kernel,
    out_type=(
        jax.ShapeDtypeStruct((_N,), jnp.int32),
        jax.ShapeDtypeStruct((_N,), jnp.int32),
        jax.ShapeDtypeStruct((_N,), jnp.float32),
        jax.ShapeDtypeStruct((_NW, _LANES), jnp.float32),
        jax.ShapeDtypeStruct((_N,), jnp.float32),
        jax.ShapeDtypeStruct((_N,), jnp.float32),
    ),
    mesh=plsc.VectorSubcoreMesh(core_axis_name="c", subcore_axis_name="s"),
    compiler_params=pltpu.CompilerParams(needs_layout_passes=False),
    scratch_types=(
        [pltpu.VMEM((_CHUNK,), jnp.int32)] * 8
        + [pltpu.VMEM((_CHUNK,), jnp.int32)] * 2
        + [pltpu.VMEM((_CHUNK,), jnp.float32)] * 3
        + [pltpu.VMEM((_CHUNK,), jnp.int32)] * 2
        + [pltpu.VMEM((_CHUNK,), jnp.float32)] * 3
        + [pltpu.VMEM((_PHASE_BINS,), jnp.float32),
           pltpu.VMEM((_PHASE_BINS,), jnp.float32),
           pltpu.VMEM((_MAG_BINS,), jnp.float32),
           pltpu.VMEM((_LANES,), jnp.float32)]
        + [pltpu.SemaphoreType.DMA] * 4
    ),
)(_sc_body)


def kernel(ctx_phase_idx, ctx_mag_idx, self_phase_idx, self_mag_idx,
           cos_table, sin_table, mag_table):
    phase_out, mag_out, signal, parts, grad_phase, grad_mag = _sc_call(
        ctx_phase_idx, ctx_mag_idx, self_phase_idx, self_mag_idx,
        cos_table, sin_table, mag_table)
    strength = jnp.sum(parts)
    return (phase_out, mag_out, signal, strength, grad_phase, grad_mag)

# --- scband reference (transcript-rebuilt; emitter-appended) ---
"""Pipeline reference for scband-modular-phase-cell-83245056131508 (READ-ONLY COPY).

The authoritative reference and input builder live on the scoring server;
editing this copy changes nothing except your own understanding.
"""

import jax, jax.numpy as jnp
import numpy as np

VECTOR_DIM = 4194304
PHASE_BINS = 64
MAG_BINS = 1024


def setup_inputs(seed: int = 0) -> dict:
    key = jax.random.key(seed)
    k1, k2, k3, k4 = jax.random.split(key, 4)
    ctx_phase_idx = jax.random.randint(k1, (VECTOR_DIM,), 0, PHASE_BINS)
    ctx_mag_idx = jax.random.randint(k2, (VECTOR_DIM,), 0, MAG_BINS)
    self_phase_idx = jax.random.randint(k3, (VECTOR_DIM,), 0, PHASE_BINS)
    self_mag_idx = jax.random.randint(k4, (VECTOR_DIM,), 0, MAG_BINS)
    # HighResolutionLookupTables parameters (N=64 phase bins, M=1024 magnitude bins):
    theta = 2.0 * jnp.pi * jnp.arange(PHASE_BINS, dtype=jnp.float32) / PHASE_BINS
    cos_table = jnp.cos(theta)
    sin_table = jnp.sin(theta)
    mag_table = jnp.exp(jnp.linspace(0.0, 1.0, MAG_BINS, dtype=jnp.float32))
    return {
        "ctx_phase_idx": ctx_phase_idx,
        "ctx_mag_idx": ctx_mag_idx,
        "self_phase_idx": self_phase_idx,
        "self_mag_idx": self_mag_idx,
        "cos_table": cos_table,
        "sin_table": sin_table,
        "mag_table": mag_table,
    }


def reference(ctx_phase_idx, ctx_mag_idx, self_phase_idx, self_mag_idx, cos_table, sin_table, mag_table):
    # Modular accumulation: (source + target) % bins
    phase_out = (ctx_phase_idx + self_phase_idx) % PHASE_BINS
    mag_out = (ctx_mag_idx + self_mag_idx) % MAG_BINS
    # High-resolution lookup-table forward: signal and analytic grads via table gathers
    c = jnp.take(cos_table, phase_out, axis=0)
    s = jnp.take(sin_table, phase_out, axis=0)
    m = jnp.take(mag_table, mag_out, axis=0)
    signal = c * m
    grad_phase = -s * m * (2.0 * jnp.pi / PHASE_BINS)
    grad_mag = c * m * (1.0 / (MAG_BINS - 1))
    strength = jnp.sum(signal)
    return (phase_out, mag_out, signal, strength, grad_phase, grad_mag)

if __name__ == "__main__":
    import jax
    _d = setup_inputs()
    print(jax.jit(kernel)(*tuple(_d.values())))

</pallas_src>

<mosaic_0001>
#map = affine_map<(d0, d1) -> (0)>
#map1 = affine_map<(d0, d1) -> (0, 0)>
module attributes {stable_mosaic.version = 14 : i64} {
  func.func @_sc_body(%arg0: i32, %arg1: i32, %arg2: memref<4194304xi32, #tpu.memory_space<hbm>>, %arg3: memref<4194304xi32, #tpu.memory_space<hbm>>, %arg4: memref<4194304xi32, #tpu.memory_space<hbm>>, %arg5: memref<4194304xi32, #tpu.memory_space<hbm>>, %arg6: memref<64xf32, #tpu.memory_space<hbm>>, %arg7: memref<64xf32, #tpu.memory_space<hbm>>, %arg8: memref<1024xf32, #tpu.memory_space<hbm>>, %arg9: memref<4194304xi32, #tpu.memory_space<hbm>>, %arg10: memref<4194304xi32, #tpu.memory_space<hbm>>, %arg11: memref<4194304xf32, #tpu.memory_space<hbm>>, %arg12: memref<32x16xf32, #tpu.memory_space<hbm>>, %arg13: memref<4194304xf32, #tpu.memory_space<hbm>>, %arg14: memref<4194304xf32, #tpu.memory_space<hbm>>, %arg15: memref<4096xi32, #tpu.memory_space<vmem>>, %arg16: memref<4096xi32, #tpu.memory_space<vmem>>, %arg17: memref<4096xi32, #tpu.memory_space<vmem>>, %arg18: memref<4096xi32, #tpu.memory_space<vmem>>, %arg19: memref<4096xi32, #tpu.memory_space<vmem>>, %arg20: memref<4096xi32, #tpu.memory_space<vmem>>, %arg21: memref<4096xi32, #tpu.memory_space<vmem>>, %arg22: memref<4096xi32, #tpu.memory_space<vmem>>, %arg23: memref<4096xi32, #tpu.memory_space<vmem>>, %arg24: memref<4096xi32, #tpu.memory_space<vmem>>, %arg25: memref<4096xf32, #tpu.memory_space<vmem>>, %arg26: memref<4096xf32, #tpu.memory_space<vmem>>, %arg27: memref<4096xf32, #tpu.memory_space<vmem>>, %arg28: memref<4096xi32, #tpu.memory_space<vmem>>, %arg29: memref<4096xi32, #tpu.memory_space<vmem>>, %arg30: memref<4096xf32, #tpu.memory_space<vmem>>, %arg31: memref<4096xf32, #tpu.memory_space<vmem>>, %arg32: memref<4096xf32, #tpu.memory_space<vmem>>, %arg33: memref<64xf32, #tpu.memory_space<vmem>>, %arg34: memref<64xf32, #tpu.memory_space<vmem>>, %arg35: memref<1024xf32, #tpu.memory_space<vmem>>, %arg36: memref<16xf32, #tpu.memory_space<vmem>>, %arg37: memref<!tpu.dma_semaphore, #tpu.memory_space<semaphore_mem>>, %arg38: memref<!tpu.dma_semaphore, #tpu.memory_space<semaphore_mem>>, %arg39: memref<!tpu.dma_semaphore, #tpu.memory_space<semaphore_mem>>, %arg40: memref<!tpu.dma_semaphore, #tpu.memory_space<semaphore_mem>>) attributes {dimension_semantics = [#tpu.dimension_semantics<core_parallel>, #tpu.dimension_semantics<subcore_parallel>], iteration_bounds = array<i64: 2, 16>, scalar_prefetch = 0 : i64, scratch_operands = 26 : i64, tpu.core_type = #tpu.core_type<sc_vector_subcore>, window_params = [{transform_indices = #map}, {transform_indices = #map}, {transform_indices = #map}, {transform_indices = #map}, {transform_indices = #map}, {transform_indices = #map}, {transform_indices = #map}, {transform_indices = #map}, {transform_indices = #map}, {transform_indices = #map}, {transform_indices = #map1}, {transform_indices = #map}, {transform_indices = #map}]} {
    %mul3A = arith.constant 16 : i32
    %mul3A_0 = arith.muli %arg0, %mul3A : i32
    %add3A = arith.addi %mul3A_0, %arg1 : i32
    %mul3A_1 = arith.constant 131072 : i32
    %mul3A_2 = arith.muli %add3A, %mul3A_1 : i32
    "tpu.region"() ({
      %run_scoped3A = tpu.sem_alloc : memref<!tpu.dma_semaphore, #tpu.memory_space<semaphore_mem>>
      tpu.enqueue_dma source(%arg6 : memref<64xf32, #tpu.memory_space<hbm>>) target(%arg33 : memref<64xf32, #tpu.memory_space<vmem>>) target_semaphore(%run_scoped3A : memref<!tpu.dma_semaphore, #tpu.memory_space<semaphore_mem>>)
      tpu.wait_dma2 semaphore(%run_scoped3A : memref<!tpu.dma_semaphore, #tpu.memory_space<semaphore_mem>>) src(%arg6 : memref<64xf32, #tpu.memory_space<hbm>>) dst(%arg33 : memref<64xf32, #tpu.memory_space<vmem>>)
      tpu.yield
    }) : () -> ()
    "tpu.region"() ({
      %run_scoped3A = tpu.sem_alloc : memref<!tpu.dma_semaphore, #tpu.memory_space<semaphore_mem>>
      tpu.enqueue_dma source(%arg7 : memref<64xf32, #tpu.memory_space<hbm>>) target(%arg34 : memref<64xf32, #tpu.memory_space<vmem>>) target_semaphore(%run_scoped3A : memref<!tpu.dma_semaphore, #tpu.memory_space<semaphore_mem>>)
      tpu.wait_dma2 semaphore(%run_scoped3A : memref<!tpu.dma_semaphore, #tpu.memory_space<semaphore_mem>>) src(%arg7 : memref<64xf32, #tpu.memory_space<hbm>>) dst(%arg34 : memref<64xf32, #tpu.memory_space<vmem>>)
      tpu.yield
    }) : () -> ()
    "tpu.region"() ({
      %run_scoped3A = tpu.sem_alloc : memref<!tpu.dma_semaphore, #tpu.memory_space<semaphore_mem>>
      tpu.enqueue_dma source(%arg8 : memref<1024xf32, #tpu.memory_space<hbm>>) target(%arg35 : memref<1024xf32, #tpu.memory_space<vmem>>) target_semaphore(%run_scoped3A : memref<!tpu.dma_semaphore, #tpu.memory_space<semaphore_mem>>)
      tpu.wait_dma2 semaphore(%run_scoped3A : memref<!tpu.dma_semaphore, #tpu.memory_space<semaphore_mem>>) src(%arg8 : memref<1024xf32, #tpu.memory_space<hbm>>) dst(%arg35 : memref<1024xf32, #tpu.memory_space<vmem>>)
      tpu.yield
    }) : () -> ()
    %add3A_3 = arith.constant 0 : i32
    %add3A_4 = arith.addi %mul3A_2, %add3A_3 : i32
    %dma_start3A = tpu.memref_slice %arg2[%add3A_4] : memref<4194304xi32, #tpu.memory_space<hbm>> -> memref<4096xi32, #tpu.memory_space<hbm>>
    %dma_start3A_5 = tpu.memref_slice %arg2[%add3A_4] : memref<4194304xi32, #tpu.memory_space<hbm>> -> memref<4096xi32, #tpu.memory_space<hbm>>
    tpu.enqueue_dma source(%dma_start3A_5 : memref<4096xi32, #tpu.memory_space<hbm>>) target(%arg15 : memref<4096xi32, #tpu.memory_space<vmem>>) target_semaphore(%arg37 : memref<!tpu.dma_semaphore, #tpu.memory_space<semaphore_mem>>)
    %dma_start3A_6 = tpu.memref_slice %arg3[%add3A_4] : memref<4194304xi32, #tpu.memory_space<hbm>> -> memref<4096xi32, #tpu.memory_space<hbm>>
    %dma_start3A_7 = tpu.memref_slice %arg3[%add3A_4] : memref<4194304xi32, #tpu.memory_space<hbm>> -> memref<4096xi32, #tpu.memory_space<hbm>>
    tpu.enqueue_dma source(%dma_start3A_7 : memref<4096xi32, #tpu.memory_space<hbm>>) target(%arg16 : memref<4096xi32, #tpu.memory_space<vmem>>) target_semaphore(%arg37 : memref<!tpu.dma_semaphore, #tpu.memory_space<semaphore_mem>>)
    %dma_start3A_8 = tpu.memref_slice %arg4[%add3A_4] : memref<4194304xi32, #tpu.memory_space<hbm>> -> memref<4096xi32, #tpu.memory_space<hbm>>
    %dma_start3A_9 = tpu.memref_slice %arg4[%add3A_4] : memref<4194304xi32, #tpu.memory_space<hbm>> -> memref<4096xi32, #tpu.memory_space<hbm>>
    tpu.enqueue_dma source(%dma_start3A_9 : memref<4096xi32, #tpu.memory_space<hbm>>) target(%arg17 : memref<4096xi32, #tpu.memory_space<vmem>>) target_semaphore(%arg37 : memref<!tpu.dma_semaphore, #tpu.memory_space<semaphore_mem>>)
    %dma_start3A_10 = tpu.memref_slice %arg5[%add3A_4] : memref<4194304xi32, #tpu.memory_space<hbm>> -> memref<4096xi32, #tpu.memory_space<hbm>>
    %dma_start3A_11 = tpu.memref_slice %arg5[%add3A_4] : memref<4194304xi32, #tpu.memory_space<hbm>> -> memref<4096xi32, #tpu.memory_space<hbm>>
    tpu.enqueue_dma source(%dma_start3A_11 : memref<4096xi32, #tpu.memory_space<hbm>>) target(%arg18 : memref<4096xi32, #tpu.memory_space<vmem>>) target_semaphore(%arg37 : memref<!tpu.dma_semaphore, #tpu.memory_space<semaphore_mem>>)
    %broadcast_in_dim3A = arith.constant 0.000000e+00 : f32
    %broadcast_in_dim3A_12 = vector.broadcast %broadcast_in_dim3A : f32 to vector<16xf32>
    %scan3A = arith.constant 0 : i32
    %scan3A_13 = arith.constant 16 : i32
    %scan3A_14 = arith.addi %scan3A, %scan3A_13 : i32
    %scan3A_15 = arith.constant 1 : i32
    %scan3A_16 = scf.for %scan3A_58 = %scan3A to %scan3A_14 step %scan3A_15 iter_args(%scan3A_59 = %broadcast_in_dim3A_12) -> (vector<16xf32>)  : i32 {
      %mul3A_60 = arith.constant 2 : i32
      %mul3A_61 = arith.muli %mul3A_60, %scan3A_58 : i32
      %add3A_62 = arith.constant 1 : i32
      %add3A_63 = arith.addi %mul3A_61, %add3A_62 : i32
      %mul3A_64 = arith.constant 4096 : i32
      %mul3A_65 = arith.muli %add3A_63, %mul3A_64 : i32
      %add3A_66 = arith.addi %mul3A_2, %mul3A_65 : i32
      %dma_start3A_67 = tpu.memref_slice %arg2[%add3A_66] : memref<4194304xi32, #tpu.memory_space<hbm>> -> memref<4096xi32, #tpu.memory_space<hbm>>
      %dma_start3A_68 = tpu.memref_slice %arg2[%add3A_66] : memref<4194304xi32, #tpu.memory_space<hbm>> -> memref<4096xi32, #tpu.memory_space<hbm>>
      tpu.enqueue_dma source(%dma_start3A_68 : memref<4096xi32, #tpu.memory_space<hbm>>) target(%arg19 : memref<4096xi32, #tpu.memory_space<vmem>>) target_semaphore(%arg38 : memref<!tpu.dma_semaphore, #tpu.memory_space<semaphore_mem>>)
      %dma_start3A_69 = tpu.memref_slice %arg3[%add3A_66] : memref<4194304xi32, #tpu.memory_space<hbm>> -> memref<4096xi32, #tpu.memory_space<hbm>>
      %dma_start3A_70 = tpu.memref_slice %arg3[%add3A_66] : memref<4194304xi32, #tpu.memory_space<hbm>> -> memref<4096xi32, #tpu.memory_space<hbm>>
      tpu.enqueue_dma source(%dma_start3A_70 : memref<4096xi32, #tpu.memory_space<hbm>>) target(%arg20 : memref<4096xi32, #tpu.memory_space<vmem>>) target_semaphore(%arg38 : memref<!tpu.dma_semaphore, #tpu.memory_space<semaphore_mem>>)
      %dma_start3A_71 = tpu.memref_slice %arg4[%add3A_66] : memref<4194304xi32, #tpu.memory_space<hbm>> -> memref<4096xi32, #tpu.memory_space<hbm>>
      %dma_start3A_72 = tpu.memref_slice %arg4[%add3A_66] : memref<4194304xi32, #tpu.memory_space<hbm>> -> memref<4096xi32, #tpu.memory_space<hbm>>
      tpu.enqueue_dma source(%dma_start3A_72 : memref<4096xi32, #tpu.memory_space<hbm>>) target(%arg21 : memref<4096xi32, #tpu.memory_space<vmem>>) target_semaphore(%arg38 : memref<!tpu.dma_semaphore, #tpu.memory_space<semaphore_mem>>)
      %dma_start3A_73 = tpu.memref_slice %arg5[%add3A_66] : memref<4194304xi32, #tpu.memory_space<hbm>> -> memref<4096xi32, #tpu.memory_space<hbm>>
      %dma_start3A_74 = tpu.memref_slice %arg5[%add3A_66] : memref<4194304xi32, #tpu.memory_space<hbm>> -> memref<4096xi32, #tpu.memory_space<hbm>>
      tpu.enqueue_dma source(%dma_start3A_74 : memref<4096xi32, #tpu.memory_space<hbm>>) target(%arg22 : memref<4096xi32, #tpu.memory_space<vmem>>) target_semaphore(%arg38 : memref<!tpu.dma_semaphore, #tpu.memory_space<semaphore_mem>>)
      %dma_wait3A_75 = arith.constant 0 : i32
      %dma_wait3A_76 = tpu.memref_slice %arg2[%dma_wait3A_75] : memref<4194304xi32, #tpu.memory_space<hbm>> -> memref<4096xi32, #tpu.memory_space<hbm>>
      %dma_wait3A_77 = arith.constant 0 : i32
      %dma_wait3A_78 = tpu.memref_slice %arg2[%dma_wait3A_77] : memref<4194304xi32, #tpu.memory_space<hbm>> -> memref<4096xi32, #tpu.memory_space<hbm>>
      tpu.wait_dma2 semaphore(%arg37 : memref<!tpu.dma_semaphore, #tpu.memory_space<semaphore_mem>>) src(%dma_wait3A_78 : memref<4096xi32, #tpu.memory_space<hbm>>) dst(%arg15 : memref<4096xi32, #tpu.memory_space<vmem>>)
      %dma_wait3A_79 = arith.constant 0 : i32
      %dma_wait3A_80 = tpu.memref_slice %arg3[%dma_wait3A_79] : memref<4194304xi32, #tpu.memory_space<hbm>> -> memref<4096xi32, #tpu.memory_space<hbm>>
      %dma_wait3A_81 = arith.constant 0 : i32
      %dma_wait3A_82 = tpu.memref_slice %arg3[%dma_wait3A_81] : memref<4194304xi32, #tpu.memory_space<hbm>> -> memref<4096xi32, #tpu.memory_space<hbm>>
      tpu.wait_dma2 semaphore(%arg37 : memref<!tpu.dma_semaphore, #tpu.memory_space<semaphore_mem>>) src(%dma_wait3A_82 : memref<4096xi32, #tpu.memory_space<hbm>>) dst(%arg16 : memref<4096xi32, #tpu.memory_space<vmem>>)
      %dma_wait3A_83 = arith.constant 0 : i32
      %dma_wait3A_84 = tpu.memref_slice %arg4[%dma_wait3A_83] : memref<4194304xi32, #tpu.memory_space<hbm>> -> memref<4096xi32, #tpu.memory_space<hbm>>
      %dma_wait3A_85 = arith.constant 0 : i32
      %dma_wait3A_86 = tpu.memref_slice %arg4[%dma_wait3A_85] : memref<4194304xi32, #tpu.memory_space<hbm>> -> memref<4096xi32, #tpu.memory_space<hbm>>
      tpu.wait_dma2 semaphore(%arg37 : memref<!tpu.dma_semaphore, #tpu.memory_space<semaphore_mem>>) src(%dma_wait3A_86 : memref<4096xi32, #tpu.memory_space<hbm>>) dst(%arg17 : memref<4096xi32, #tpu.memory_space<vmem>>)
      %dma_wait3A_87 = arith.constant 0 : i32
      %dma_wait3A_88 = tpu.memref_slice %arg5[%dma_wait3A_87] : memref<4194304xi32, #tpu.memory_space<hbm>> -> memref<4096xi32, #tpu.memory_space<hbm>>
      %dma_wait3A_89 = arith.constant 0 : i32
      %dma_wait3A_90 = tpu.memref_slice %arg5[%dma_wait3A_89] : memref<4194304xi32, #tpu.memory_space<hbm>> -> memref<4096xi32, #tpu.memory_space<hbm>>
      tpu.wait_dma2 semaphore(%arg37 : memref<!tpu.dma_semaphore, #tpu.memory_space<semaphore_mem>>) src(%dma_wait3A_90 : memref<4096xi32, #tpu.memory_space<hbm>>) dst(%arg18 : memref<4096xi32, #tpu.memory_space<vmem>>)
      %gt3A = arith.constant 0 : i32
      %gt3A_91 = arith.cmpi sgt, %scan3A_58, %gt3A : i32
      %convert_element_type3A = arith.extui %gt3A_91 : i1 to i32
      %cond3A = arith.constant 0 : i32
      %cond3A_92 = arith.cmpi ne, %convert_element_type3A, %cond3A : i32
      scf.if %cond3A_92 {
        %dma_wait3A_153 = arith.constant 0 : i32
        %dma_wait3A_154 = tpu.memref_slice %arg9[%dma_wait3A_153] : memref<4194304xi32, #tpu.memory_space<hbm>> -> memref<4096xi32, #tpu.memory_space<hbm>>
        %dma_wait3A_155 = arith.constant 0 : i32
        %dma_wait3A_156 = tpu.memref_slice %arg9[%dma_wait3A_155] : memref<4194304xi32, #tpu.memory_space<hbm>> -> memref<4096xi32, #tpu.memory_space<hbm>>
        tpu.wait_dma2 semaphore(%arg39 : memref<!tpu.dma_semaphore, #tpu.memory_space<semaphore_mem>>) src(%arg23 : memref<4096xi32, #tpu.memory_space<vmem>>) dst(%dma_wait3A_156 : memref<4096xi32, #tpu.memory_space<hbm>>)
        %dma_wait3A_157 = arith.constant 0 : i32
        %dma_wait3A_158 = tpu.memref_slice %arg10[%dma_wait3A_157] : memref<4194304xi32, #tpu.memory_space<hbm>> -> memref<4096xi32, #tpu.memory_space<hbm>>
        %dma_wait3A_159 = arith.constant 0 : i32
        %dma_wait3A_160 = tpu.memref_slice %arg10[%dma_wait3A_159] : memref<4194304xi32, #tpu.memory_space<hbm>> -> memref<4096xi32, #tpu.memory_space<hbm>>
        tpu.wait_dma2 semaphore(%arg39 : memref<!tpu.dma_semaphore, #tpu.memory_space<semaphore_mem>>) src(%arg24 : memref<4096xi32, #tpu.memory_space<vmem>>) dst(%dma_wait3A_160 : memref<4096xi32, #tpu.memory_space<hbm>>)
        %dma_wait3A_161 = arith.constant 0 : i32
        %dma_wait3A_162 = tpu.memref_slice %arg11[%dma_wait3A_161] : memref<4194304xf32, #tpu.memory_space<hbm>> -> memref<4096xf32, #tpu.memory_space<hbm>>
        %dma_wait3A_163 = arith.constant 0 : i32
        %dma_wait3A_164 = tpu.memref_slice %arg11[%dma_wait3A_163] : memref<4194304xf32, #tpu.memory_space<hbm>> -> memref<4096xf32, #tpu.memory_space<hbm>>
        tpu.wait_dma2 semaphore(%arg39 : memref<!tpu.dma_semaphore, #tpu.memory_space<semaphore_mem>>) src(%arg25 : memref<4096xf32, #tpu.memory_space<vmem>>) dst(%dma_wait3A_164 : memref<4096xf32, #tpu.memory_space<hbm>>)
        %dma_wait3A_165 = arith.constant 0 : i32
        %dma_wait3A_166 = tpu.memref_slice %arg13[%dma_wait3A_165] : memref<4194304xf32, #tpu.memory_space<hbm>> -> memref<4096xf32, #tpu.memory_space<hbm>>
        %dma_wait3A_167 = arith.constant 0 : i32
        %dma_wait3A_168 = tpu.memref_slice %arg13[%dma_wait3A_167] : memref<4194304xf32, #tpu.memory_space<hbm>> -> memref<4096xf32, #tpu.memory_space<hbm>>
        tpu.wait_dma2 semaphore(%arg39 : memref<!tpu.dma_semaphore, #tpu.memory_space<semaphore_mem>>) src(%arg26 : memref<4096xf32, #tpu.memory_space<vmem>>) dst(%dma_wait3A_168 : memref<4096xf32, #tpu.memory_space<hbm>>)
        %dma_wait3A_169 = arith.constant 0 : i32
        %dma_wait3A_170 = tpu.memref_slice %arg14[%dma_wait3A_169] : memref<4194304xf32, #tpu.memory_space<hbm>> -> memref<4096xf32, #tpu.memory_space<hbm>>
        %dma_wait3A_171 = arith.constant 0 : i32
        %dma_wait3A_172 = tpu.memref_slice %arg14[%dma_wait3A_171] : memref<4194304xf32, #tpu.memory_space<hbm>> -> memref<4096xf32, #tpu.memory_space<hbm>>
        tpu.wait_dma2 semaphore(%arg39 : memref<!tpu.dma_semaphore, #tpu.memory_space<semaphore_mem>>) src(%arg27 : memref<4096xf32, #tpu.memory_space<vmem>>) dst(%dma_wait3A_172 : memref<4096xf32, #tpu.memory_space<hbm>>)
      } else {
      }
      %parallel_loop3A = arith.constant 0 : i32
      %parallel_loop3A_93 = arith.constant 4096 : i32
      %parallel_loop3A_94 = arith.constant 16 : i32
      %parallel_loop3A_95 = scf.for %parallel_loop3A_153 = %parallel_loop3A to %parallel_loop3A_93 step %parallel_loop3A_94 iter_args(%parallel_loop3A_154 = %scan3A_59) -> (vector<16xf32>)  : i32 {
        %parallel_loop3A_155 = arith.index_cast %parallel_loop3A_153 : i32 to index
        %parallel_loop3A_156 = tpu.vector_load %arg15[%parallel_loop3A_155] {strides = array<i32>} : memref<4096xi32, #tpu.memory_space<vmem>>, vector<16xi32>,
        %parallel_loop3A_157 = arith.index_cast %parallel_loop3A_153 : i32 to index
        %parallel_loop3A_158 = tpu.vector_load %arg17[%parallel_loop3A_157] {strides = array<i32>} : memref<4096xi32, #tpu.memory_space<vmem>>, vector<16xi32>,
        %parallel_loop3A_159 = arith.addi %parallel_loop3A_156, %parallel_loop3A_158 : vector<16xi32>
        %parallel_loop3A_160 = arith.constant 63 : i32
        %parallel_loop3A_161 = vector.broadcast %parallel_loop3A_160 : i32 to vector<16xi32>
        %parallel_loop3A_162 = arith.andi %parallel_loop3A_159, %parallel_loop3A_161 : vector<16xi32>
        %parallel_loop3A_163 = arith.index_cast %parallel_loop3A_153 : i32 to index
        %parallel_loop3A_164 = tpu.vector_load %arg16[%parallel_loop3A_163] {strides = array<i32>} : memref<4096xi32, #tpu.memory_space<vmem>>, vector<16xi32>,
        %parallel_loop3A_165 = arith.index_cast %parallel_loop3A_153 : i32 to index
        %parallel_loop3A_166 = tpu.vector_load %arg18[%parallel_loop3A_165] {strides = array<i32>} : memref<4096xi32, #tpu.memory_space<vmem>>, vector<16xi32>,
        %parallel_loop3A_167 = arith.addi %parallel_loop3A_164, %parallel_loop3A_166 : vector<16xi32>
        %parallel_loop3A_168 = arith.constant 1023 : i32
        %parallel_loop3A_169 = vector.broadcast %parallel_loop3A_168 : i32 to vector<16xi32>
        %parallel_loop3A_170 = arith.andi %parallel_loop3A_167, %parallel_loop3A_169 : vector<16xi32>
        %parallel_loop3A_171 = arith.index_cast %parallel_loop3A_153 : i32 to index
        %parallel_loop3A_172 = tpu.vector_load %arg23[%parallel_loop3A_171] {strides = array<i32>} : memref<4096xi32, #tpu.memory_space<vmem>>, vector<16xi32>,
        tpu.vector_store %arg23[%parallel_loop3A_171], %parallel_loop3A_162 {strides = array<i32>} : memref<4096xi32, #tpu.memory_space<vmem>>, vector<16xi32>,
        %parallel_loop3A_173 = arith.index_cast %parallel_loop3A_153 : i32 to index
        %parallel_loop3A_174 = tpu.vector_load %arg24[%parallel_loop3A_173] {strides = array<i32>} : memref<4096xi32, #tpu.memory_space<vmem>>, vector<16xi32>,
        tpu.vector_store %arg24[%parallel_loop3A_173], %parallel_loop3A_170 {strides = array<i32>} : memref<4096xi32, #tpu.memory_space<vmem>>, vector<16xi32>,
        %parallel_loop3A_175 = tpu.vector_load_idx %arg33[%parallel_loop3A_162] : memref<64xf32, #tpu.memory_space<vmem>>[vector<16xi32>], vector<16xf32>,
        %parallel_loop3A_176 = tpu.vector_load_idx %arg34[%parallel_loop3A_162] : memref<64xf32, #tpu.memory_space<vmem>>[vector<16xi32>], vector<16xf32>,
        %parallel_loop3A_177 = tpu.vector_load_idx %arg35[%parallel_loop3A_170] : memref<1024xf32, #tpu.memory_space<vmem>>[vector<16xi32>], vector<16xf32>,
        %parallel_loop3A_178 = arith.mulf %parallel_loop3A_175, %parallel_loop3A_177 : vector<16xf32>
        %parallel_loop3A_179 = arith.index_cast %parallel_loop3A_153 : i32 to index
        %parallel_loop3A_180 = tpu.vector_load %arg25[%parallel_loop3A_179] {strides = array<i32>} : memref<4096xf32, #tpu.memory_space<vmem>>, vector<16xf32>,
        tpu.vector_store %arg25[%parallel_loop3A_179], %parallel_loop3A_178 {strides = array<i32>} : memref<4096xf32, #tpu.memory_space<vmem>>, vector<16xf32>,
        %parallel_loop3A_181 = arith.mulf %parallel_loop3A_176, %parallel_loop3A_177 : vector<16xf32>
        %parallel_loop3A_182 = arith.constant -0.0981747731 : f32
        %parallel_loop3A_183 = vector.broadcast %parallel_loop3A_182 : f32 to vector<16xf32>
        %parallel_loop3A_184 = arith.mulf %parallel_loop3A_181, %parallel_loop3A_183 : vector<16xf32>
        %parallel_loop3A_185 = arith.index_cast %parallel_loop3A_153 : i32 to index
        %parallel_loop3A_186 = tpu.vector_load %arg26[%parallel_loop3A_185] {strides = array<i32>} : memref<4096xf32, #tpu.memory_space<vmem>>, vector<16xf32>,
        tpu.vector_store %arg26[%parallel_loop3A_185], %parallel_loop3A_184 {strides = array<i32>} : memref<4096xf32, #tpu.memory_space<vmem>>, vector<16xf32>,
        %parallel_loop3A_187 = arith.constant 9.77517105E-4 : f32
        %parallel_loop3A_188 = vector.broadcast %parallel_loop3A_187 : f32 to vector<16xf32>
        %parallel_loop3A_189 = arith.mulf %parallel_loop3A_178, %parallel_loop3A_188 : vector<16xf32>
        %parallel_loop3A_190 = arith.index_cast %parallel_loop3A_153 : i32 to index
        %parallel_loop3A_191 = tpu.vector_load %arg27[%parallel_loop3A_190] {strides = array<i32>} : memref<4096xf32, #tpu.memory_space<vmem>>, vector<16xf32>,
        tpu.vector_store %arg27[%parallel_loop3A_190], %parallel_loop3A_189 {strides = array<i32>} : memref<4096xf32, #tpu.memory_space<vmem>>, vector<16xf32>,
        %parallel_loop3A_192 = arith.addf %parallel_loop3A_154, %parallel_loop3A_178 : vector<16xf32>
        scf.yield %parallel_loop3A_192 : vector<16xf32>
      } {sc.loop_unroll_factor = 2 : i64, sc.parallel_access}
      %mul3A_96 = arith.constant 4096 : i32
      %mul3A_97 = arith.muli %mul3A_61, %mul3A_96 : i32
      %add3A_98 = arith.addi %mul3A_2, %mul3A_97 : i32
      %dma_start3A_99 = tpu.memref_slice %arg9[%add3A_98] : memref<4194304xi32, #tpu.memory_space<hbm>> -> memref<4096xi32, #tpu.memory_space<hbm>>
      %dma_start3A_100 = tpu.memref_slice %arg9[%add3A_98] : memref<4194304xi32, #tpu.memory_space<hbm>> -> memref<4096xi32, #tpu.memory_space<hbm>>
      tpu.enqueue_dma source(%arg23 : memref<4096xi32, #tpu.memory_space<vmem>>) target(%dma_start3A_100 : memref<4096xi32, #tpu.memory_space<hbm>>) target_semaphore(%arg39 : memref<!tpu.dma_semaphore, #tpu.memory_space<semaphore_mem>>)
      %dma_start3A_101 = tpu.memref_slice %arg10[%add3A_98] : memref<4194304xi32, #tpu.memory_space<hbm>> -> memref<4096xi32, #tpu.memory_space<hbm>>
      %dma_start3A_102 = tpu.memref_slice %arg10[%add3A_98] : memref<4194304xi32, #tpu.memory_space<hbm>> -> memref<4096xi32, #tpu.memory_space<hbm>>
      tpu.enqueue_dma source(%arg24 : memref<4096xi32, #tpu.memory_space<vmem>>) target(%dma_start3A_102 : memref<4096xi32, #tpu.memory_space<hbm>>) target_semaphore(%arg39 : memref<!tpu.dma_semaphore, #tpu.memory_space<semaphore_mem>>)
      %dma_start3A_103 = tpu.memref_slice %arg11[%add3A_98] : memref<4194304xf32, #tpu.memory_space<hbm>> -> memref<4096xf32, #tpu.memory_space<hbm>>
      %dma_start3A_104 = tpu.memref_slice %arg11[%add3A_98] : memref<4194304xf32, #tpu.memory_space<hbm>> -> memref<4096xf32, #tpu.memory_space<hbm>>
      tpu.enqueue_dma source(%arg25 : memref<4096xf32, #tpu.memory_space<vmem>>) target(%dma_start3A_104 : memref<4096xf32, #tpu.memory_space<hbm>>) target_semaphore(%arg39 : memref<!tpu.dma_semaphore, #tpu.memory_space<semaphore_mem>>)
      %dma_start3A_105 = tpu.memref_slice %arg13[%add3A_98] : memref<4194304xf32, #tpu.memory_space<hbm>> -> memref<4096xf32, #tpu.memory_space<hbm>>
      %dma_start3A_106 = tpu.memref_slice %arg13[%add3A_98] : memref<4194304xf32, #tpu.memory_space<hbm>> -> memref<4096xf32, #tpu.memory_space<hbm>>
      tpu.enqueue_dma source(%arg26 : memref<4096xf32, #tpu.memory_space<vmem>>) target(%dma_start3A_106 : memref<4096xf32, #tpu.memory_space<hbm>>) target_semaphore(%arg39 : memref<!tpu.dma_semaphore, #tpu.memory_space<semaphore_mem>>)
      %dma_start3A_107 = tpu.memref_slice %arg14[%add3A_98] : memref<4194304xf32, #tpu.memory_space<hbm>> -> memref<4096xf32, #tpu.memory_space<hbm>>
      %dma_start3A_108 = tpu.memref_slice %arg14[%add3A_98] : memref<4194304xf32, #tpu.memory_space<hbm>> -> memref<4096xf32, #tpu.memory_space<hbm>>
      tpu.enqueue_dma source(%arg27 : memref<4096xf32, #tpu.memory_space<vmem>>) target(%dma_start3A_108 : memref<4096xf32, #tpu.memory_space<hbm>>) target_semaphore(%arg39 : memref<!tpu.dma_semaphore, #tpu.memory_space<semaphore_mem>>)
      %lt3A = arith.constant 15 : i32
      %lt3A_109 = arith.cmpi slt, %scan3A_58, %lt3A : i32
      %convert_element_type3A_110 = arith.extui %lt3A_109 : i1 to i32
      %cond3A_111 = arith.constant 0 : i32
      %cond3A_112 = arith.cmpi ne, %convert_element_type3A_110, %cond3A_111 : i32
      scf.if %cond3A_112 {
        %add3A_153 = arith.constant 2 : i32
        %add3A_154 = arith.addi %mul3A_61, %add3A_153 : i32
        %mul3A_155 = arith.constant 4096 : i32
        %mul3A_156 = arith.muli %add3A_154, %mul3A_155 : i32
        %add3A_157 = arith.addi %mul3A_2, %mul3A_156 : i32
        %dma_start3A_158 = tpu.memref_slice %arg2[%add3A_157] : memref<4194304xi32, #tpu.memory_space<hbm>> -> memref<4096xi32, #tpu.memory_space<hbm>>
        %dma_start3A_159 = tpu.memref_slice %arg2[%add3A_157] : memref<4194304xi32, #tpu.memory_space<hbm>> -> memref<4096xi32, #tpu.memory_space<hbm>>
        tpu.enqueue_dma source(%dma_start3A_159 : memref<4096xi32, #tpu.memory_space<hbm>>) target(%arg15 : memref<4096xi32, #tpu.memory_space<vmem>>) target_semaphore(%arg37 : memref<!tpu.dma_semaphore, #tpu.memory_space<semaphore_mem>>)
        %dma_start3A_160 = tpu.memref_slice %arg3[%add3A_157] : memref<4194304xi32, #tpu.memory_space<hbm>> -> memref<4096xi32, #tpu.memory_space<hbm>>
        %dma_start3A_161 = tpu.memref_slice %arg3[%add3A_157] : memref<4194304xi32, #tpu.memory_space<hbm>> -> memref<4096xi32, #tpu.memory_space<hbm>>
        tpu.enqueue_dma source(%dma_start3A_161 : memref<4096xi32, #tpu.memory_space<hbm>>) target(%arg16 : memref<4096xi32, #tpu.memory_space<vmem>>) target_semaphore(%arg37 : memref<!tpu.dma_semaphore, #tpu.memory_space<semaphore_mem>>)
        %dma_start3A_162 = tpu.memref_slice %arg4[%add3A_157] : memref<4194304xi32, #tpu.memory_space<hbm>> -> memref<4096xi32, #tpu.memory_space<hbm>>
        %dma_start3A_163 = tpu.memref_slice %arg4[%add3A_157] : memref<4194304xi32, #tpu.memory_space<hbm>> -> memref<4096xi32, #tpu.memory_space<hbm>>
        tpu.enqueue_dma source(%dma_start3A_163 : memref<4096xi32, #tpu.memory_space<hbm>>) target(%arg17 : memref<4096xi32, #tpu.memory_space<vmem>>) target_semaphore(%arg37 : memref<!tpu.dma_semaphore, #tpu.memory_space<semaphore_mem>>)
        %dma_start3A_164 = tpu.memref_slice %arg5[%add3A_157] : memref<4194304xi32, #tpu.memory_space<hbm>> -> memref<4096xi32, #tpu.memory_space<hbm>>
        %dma_start3A_165 = tpu.memref_slice %arg5[%add3A_157] : memref<4194304xi32, #tpu.memory_space<hbm>> -> memref<4096xi32, #tpu.memory_space<hbm>>
        tpu.enqueue_dma source(%dma_start3A_165 : memref<4096xi32, #tpu.memory_space<hbm>>) target(%arg18 : memref<4096xi32, #tpu.memory_space<vmem>>) target_semaphore(%arg37 : memref<!tpu.dma_semaphore, #tpu.memory_space<semaphore_mem>>)
      } else {
      }
      %dma_wait3A_113 = arith.constant 0 : i32
      %dma_wait3A_114 = tpu.memref_slice %arg2[%dma_wait3A_113] : memref<4194304xi32, #tpu.memory_space<hbm>> -> memref<4096xi32, #tpu.memory_space<hbm>>
      %dma_wait3A_115 = arith.constant 0 : i32
      %dma_wait3A_116 = tpu.memref_slice %arg2[%dma_wait3A_115] : memref<4194304xi32, #tpu.memory_space<hbm>> -> memref<4096xi32, #tpu.memory_space<hbm>>
      tpu.wait_dma2 semaphore(%arg38 : memref<!tpu.dma_semaphore, #tpu.memory_space<semaphore_mem>>) src(%dma_wait3A_116 : memref<4096xi32, #tpu.memory_space<hbm>>) dst(%arg19 : memref<4096xi32, #tpu.memory_space<vmem>>)
      %dma_wait3A_117 = arith.constant 0 : i32
      %dma_wait3A_118 = tpu.memref_slice %arg3[%dma_wait3A_117] : memref<4194304xi32, #tpu.memory_space<hbm>> -> memref<4096xi32, #tpu.memory_space<hbm>>
      %dma_wait3A_119 = arith.constant 0 : i32
      %dma_wait3A_120 = tpu.memref_slice %arg3[%dma_wait3A_119] : memref<4194304xi32, #tpu.memory_space<hbm>> -> memref<4096xi32, #tpu.memory_space<hbm>>
      tpu.wait_dma2 semaphore(%arg38 : memref<!tpu.dma_semaphore, #tpu.memory_space<semaphore_mem>>) src(%dma_wait3A_120 : memref<4096xi32, #tpu.memory_space<hbm>>) dst(%arg20 : memref<4096xi32, #tpu.memory_space<vmem>>)
      %dma_wait3A_121 = arith.constant 0 : i32
      %dma_wait3A_122 = tpu.memref_slice %arg4[%dma_wait3A_121] : memref<4194304xi32, #tpu.memory_space<hbm>> -> memref<4096xi32, #tpu.memory_space<hbm>>
      %dma_wait3A_123 = arith.constant 0 : i32
      %dma_wait3A_124 = tpu.memref_slice %arg4[%dma_wait3A_123] : memref<4194304xi32, #tpu.memory_space<hbm>> -> memref<4096xi32, #tpu.memory_space<hbm>>
      tpu.wait_dma2 semaphore(%arg38 : memref<!tpu.dma_semaphore, #tpu.memory_space<semaphore_mem>>) src(%dma_wait3A_124 : memref<4096xi32, #tpu.memory_space<hbm>>) dst(%arg21 : memref<4096xi32, #tpu.memory_space<vmem>>)
      %dma_wait3A_125 = arith.constant 0 : i32
      %dma_wait3A_126 = tpu.memref_slice %arg5[%dma_wait3A_125] : memref<4194304xi32, #tpu.memory_space<hbm>> -> memref<4096xi32, #tpu.memory_space<hbm>>
      %dma_wait3A_127 = arith.constant 0 : i32
      %dma_wait3A_128 = tpu.memref_slice %arg5[%dma_wait3A_127] : memref<4194304xi32, #tpu.memory_space<hbm>> -> memref<4096xi32, #tpu.memory_space<hbm>>
      tpu.wait_dma2 semaphore(%arg38 : memref<!tpu.dma_semaphore, #tpu.memory_space<semaphore_mem>>) src(%dma_wait3A_128 : memref<4096xi32, #tpu.memory_space<hbm>>) dst(%arg22 : memref<4096xi32, #tpu.memory_space<vmem>>)
      %gt3A_129 = arith.constant 0 : i32
      %gt3A_130 = arith.cmpi sgt, %scan3A_58, %gt3A_129 : i32
      %convert_element_type3A_131 = arith.extui %gt3A_130 : i1 to i32
      %cond3A_132 = arith.constant 0 : i32
      %cond3A_133 = arith.cmpi ne, %convert_element_type3A_131, %cond3A_132 : i32
      scf.if %cond3A_133 {
        %dma_wait3A_153 = arith.constant 0 : i32
        %dma_wait3A_154 = tpu.memref_slice %arg9[%dma_wait3A_153] : memref<4194304xi32, #tpu.memory_space<hbm>> -> memref<4096xi32, #tpu.memory_space<hbm>>
        %dma_wait3A_155 = arith.constant 0 : i32
        %dma_wait3A_156 = tpu.memref_slice %arg9[%dma_wait3A_155] : memref<4194304xi32, #tpu.memory_space<hbm>> -> memref<4096xi32, #tpu.memory_space<hbm>>
        tpu.wait_dma2 semaphore(%arg40 : memref<!tpu.dma_semaphore, #tpu.memory_space<semaphore_mem>>) src(%arg28 : memref<4096xi32, #tpu.memory_space<vmem>>) dst(%dma_wait3A_156 : memref<4096xi32, #tpu.memory_space<hbm>>)
        %dma_wait3A_157 = arith.constant 0 : i32
        %dma_wait3A_158 = tpu.memref_slice %arg10[%dma_wait3A_157] : memref<4194304xi32, #tpu.memory_space<hbm>> -> memref<4096xi32, #tpu.memory_space<hbm>>
        %dma_wait3A_159 = arith.constant 0 : i32
        %dma_wait3A_160 = tpu.memref_slice %arg10[%dma_wait3A_159] : memref<4194304xi32, #tpu.memory_space<hbm>> -> memref<4096xi32, #tpu.memory_space<hbm>>
        tpu.wait_dma2 semaphore(%arg40 : memref<!tpu.dma_semaphore, #tpu.memory_space<semaphore_mem>>) src(%arg29 : memref<4096xi32, #tpu.memory_space<vmem>>) dst(%dma_wait3A_160 : memref<4096xi32, #tpu.memory_space<hbm>>)
        %dma_wait3A_161 = arith.constant 0 : i32
        %dma_wait3A_162 = tpu.memref_slice %arg11[%dma_wait3A_161] : memref<4194304xf32, #tpu.memory_space<hbm>> -> memref<4096xf32, #tpu.memory_space<hbm>>
        %dma_wait3A_163 = arith.constant 0 : i32
        %dma_wait3A_164 = tpu.memref_slice %arg11[%dma_wait3A_163] : memref<4194304xf32, #tpu.memory_space<hbm>> -> memref<4096xf32, #tpu.memory_space<hbm>>
        tpu.wait_dma2 semaphore(%arg40 : memref<!tpu.dma_semaphore, #tpu.memory_space<semaphore_mem>>) src(%arg30 : memref<4096xf32, #tpu.memory_space<vmem>>) dst(%dma_wait3A_164 : memref<4096xf32, #tpu.memory_space<hbm>>)
        %dma_wait3A_165 = arith.constant 0 : i32
        %dma_wait3A_166 = tpu.memref_slice %arg13[%dma_wait3A_165] : memref<4194304xf32, #tpu.memory_space<hbm>> -> memref<4096xf32, #tpu.memory_space<hbm>>
        %dma_wait3A_167 = arith.constant 0 : i32
        %dma_wait3A_168 = tpu.memref_slice %arg13[%dma_wait3A_167] : memref<4194304xf32, #tpu.memory_space<hbm>> -> memref<4096xf32, #tpu.memory_space<hbm>>
        tpu.wait_dma2 semaphore(%arg40 : memref<!tpu.dma_semaphore, #tpu.memory_space<semaphore_mem>>) src(%arg31 : memref<4096xf32, #tpu.memory_space<vmem>>) dst(%dma_wait3A_168 : memref<4096xf32, #tpu.memory_space<hbm>>)
        %dma_wait3A_169 = arith.constant 0 : i32
        %dma_wait3A_170 = tpu.memref_slice %arg14[%dma_wait3A_169] : memref<4194304xf32, #tpu.memory_space<hbm>> -> memref<4096xf32, #tpu.memory_space<hbm>>
        %dma_wait3A_171 = arith.constant 0 : i32
        %dma_wait3A_172 = tpu.memref_slice %arg14[%dma_wait3A_171] : memref<4194304xf32, #tpu.memory_space<hbm>> -> memref<4096xf32, #tpu.memory_space<hbm>>
        tpu.wait_dma2 semaphore(%arg40 : memref<!tpu.dma_semaphore, #tpu.memory_space<semaphore_mem>>) src(%arg32 : memref<4096xf32, #tpu.memory_space<vmem>>) dst(%dma_wait3A_172 : memref<4096xf32, #tpu.memory_space<hbm>>)
      } else {
      }
      %parallel_loop3A_134 = arith.constant 0 : i32
      %parallel_loop3A_135 = arith.constant 4096 : i32
      %parallel_loop3A_136 = arith.constant 16 : i32
      %parallel_loop3A_137 = scf.for %parallel_loop3A_153 = %parallel_loop3A_134 to %parallel_loop3A_135 step %parallel_loop3A_136 iter_args(%parallel_loop3A_154 = %parallel_loop3A_95) -> (vector<16xf32>)  : i32 {
        %parallel_loop3A_155 = arith.index_cast %parallel_loop3A_153 : i32 to index
        %parallel_loop3A_156 = tpu.vector_load %arg19[%parallel_loop3A_155] {strides = array<i32>} : memref<4096xi32, #tpu.memory_space<vmem>>, vector<16xi32>,
        %parallel_loop3A_157 = arith.index_cast %parallel_loop3A_153 : i32 to index
        %parallel_loop3A_158 = tpu.vector_load %arg21[%parallel_loop3A_157] {strides = array<i32>} : memref<4096xi32, #tpu.memory_space<vmem>>, vector<16xi32>,
        %parallel_loop3A_159 = arith.addi %parallel_loop3A_156, %parallel_loop3A_158 : vector<16xi32>
        %parallel_loop3A_160 = arith.constant 63 : i32
        %parallel_loop3A_161 = vector.broadcast %parallel_loop3A_160 : i32 to vector<16xi32>
        %parallel_loop3A_162 = arith.andi %parallel_loop3A_159, %parallel_loop3A_161 : vector<16xi32>
        %parallel_loop3A_163 = arith.index_cast %parallel_loop3A_153 : i32 to index
        %parallel_loop3A_164 = tpu.vector_load %arg20[%parallel_loop3A_163] {strides = array<i32>} : memref<4096xi32, #tpu.memory_space<vmem>>, vector<16xi32>,
        %parallel_loop3A_165 = arith.index_cast %parallel_loop3A_153 : i32 to index
        %parallel_loop3A_166 = tpu.vector_load %arg22[%parallel_loop3A_165] {strides = array<i32>} : memref<4096xi32, #tpu.memory_space<vmem>>, vector<16xi32>,
        %parallel_loop3A_167 = arith.addi %parallel_loop3A_164, %parallel_loop3A_166 : vector<16xi32>
        %parallel_loop3A_168 = arith.constant 1023 : i32
        %parallel_loop3A_169 = vector.broadcast %parallel_loop3A_168 : i32 to vector<16xi32>
        %parallel_loop3A_170 = arith.andi %parallel_loop3A_167, %parallel_loop3A_169 : vector<16xi32>
        %parallel_loop3A_171 = arith.index_cast %parallel_loop3A_153 : i32 to index
        %parallel_loop3A_172 = tpu.vector_load %arg28[%parallel_loop3A_171] {strides = array<i32>} : memref<4096xi32, #tpu.memory_space<vmem>>, vector<16xi32>,
        tpu.vector_store %arg28[%parallel_loop3A_171], %parallel_loop3A_162 {strides = array<i32>} : memref<4096xi32, #tpu.memory_space<vmem>>, vector<16xi32>,
        %parallel_loop3A_173 = arith.index_cast %parallel_loop3A_153 : i32 to index
        %parallel_loop3A_174 = tpu.vector_load %arg29[%parallel_loop3A_173] {strides = array<i32>} : memref<4096xi32, #tpu.memory_space<vmem>>, vector<16xi32>,
        tpu.vector_store %arg29[%parallel_loop3A_173], %parallel_loop3A_170 {strides = array<i32>} : memref<4096xi32, #tpu.memory_space<vmem>>, vector<16xi32>,
        %parallel_loop3A_175 = tpu.vector_load_idx %arg33[%parallel_loop3A_162] : memref<64xf32, #tpu.memory_space<vmem>>[vector<16xi32>], vector<16xf32>,
        %parallel_loop3A_176 = tpu.vector_load_idx %arg34[%parallel_loop3A_162] : memref<64xf32, #tpu.memory_space<vmem>>[vector<16xi32>], vector<16xf32>,
        %parallel_loop3A_177 = tpu.vector_load_idx %arg35[%parallel_loop3A_170] : memref<1024xf32, #tpu.memory_space<vmem>>[vector<16xi32>], vector<16xf32>,
        %parallel_loop3A_178 = arith.mulf %parallel_loop3A_175, %parallel_loop3A_177 : vector<16xf32>
        %parallel_loop3A_179 = arith.index_cast %parallel_loop3A_153 : i32 to index
        %parallel_loop3A_180 = tpu.vector_load %arg30[%parallel_loop3A_179] {strides = array<i32>} : memref<4096xf32, #tpu.memory_space<vmem>>, vector<16xf32>,
        tpu.vector_store %arg30[%parallel_loop3A_179], %parallel_loop3A_178 {strides = array<i32>} : memref<4096xf32, #tpu.memory_space<vmem>>, vector<16xf32>,
        %parallel_loop3A_181 = arith.mulf %parallel_loop3A_176, %parallel_loop3A_177 : vector<16xf32>
        %parallel_loop3A_182 = arith.constant -0.0981747731 : f32
        %parallel_loop3A_183 = vector.broadcast %parallel_loop3A_182 : f32 to vector<16xf32>
        %parallel_loop3A_184 = arith.mulf %parallel_loop3A_181, %parallel_loop3A_183 : vector<16xf32>
        %parallel_loop3A_185 = arith.index_cast %parallel_loop3A_153 : i32 to index
        %parallel_loop3A_186 = tpu.vector_load %arg31[%parallel_loop3A_185] {strides = array<i32>} : memref<4096xf32, #tpu.memory_space<vmem>>, vector<16xf32>,
        tpu.vector_store %arg31[%parallel_loop3A_185], %parallel_loop3A_184 {strides = array<i32>} : memref<4096xf32, #tpu.memory_space<vmem>>, vector<16xf32>,
        %parallel_loop3A_187 = arith.constant 9.77517105E-4 : f32
        %parallel_loop3A_188 = vector.broadcast %parallel_loop3A_187 : f32 to vector<16xf32>
        %parallel_loop3A_189 = arith.mulf %parallel_loop3A_178, %parallel_loop3A_188 : vector<16xf32>
        %parallel_loop3A_190 = arith.index_cast %parallel_loop3A_153 : i32 to index
        %parallel_loop3A_191 = tpu.vector_load %arg32[%parallel_loop3A_190] {strides = array<i32>} : memref<4096xf32, #tpu.memory_space<vmem>>, vector<16xf32>,
        tpu.vector_store %arg32[%parallel_loop3A_190], %parallel_loop3A_189 {strides = array<i32>} : memref<4096xf32, #tpu.memory_space<vmem>>, vector<16xf32>,
        %parallel_loop3A_192 = arith.addf %parallel_loop3A_154, %parallel_loop3A_178 : vector<16xf32>
        scf.yield %parallel_loop3A_192 : vector<16xf32>
      } {sc.loop_unroll_factor = 2 : i64, sc.parallel_access}
      %add3A_138 = arith.constant 1 : i32
      %add3A_139 = arith.addi %mul3A_61, %add3A_138 : i32
      %mul3A_140 = arith.constant 4096 : i32
      %mul3A_141 = arith.muli %add3A_139, %mul3A_140 : i32
      %add3A_142 = arith.addi %mul3A_2, %mul3A_141 : i32
      %dma_start3A_143 = tpu.memref_slice %arg9[%add3A_142] : memref<4194304xi32, #tpu.memory_space<hbm>> -> memref<4096xi32, #tpu.memory_space<hbm>>
      %dma_start3A_144 = tpu.memref_slice %arg9[%add3A_142] : memref<4194304xi32, #tpu.memory_space<hbm>> -> memref<4096xi32, #tpu.memory_space<hbm>>
      tpu.enqueue_dma source(%arg28 : memref<4096xi32, #tpu.memory_space<vmem>>) target(%dma_start3A_144 : memref<4096xi32, #tpu.memory_space<hbm>>) target_semaphore(%arg40 : memref<!tpu.dma_semaphore, #tpu.memory_space<semaphore_mem>>)
      %dma_start3A_145 = tpu.memref_slice %arg10[%add3A_142] : memref<4194304xi32, #tpu.memory_space<hbm>> -> memref<4096xi32, #tpu.memory_space<hbm>>
      %dma_start3A_146 = tpu.memref_slice %arg10[%add3A_142] : memref<4194304xi32, #tpu.memory_space<hbm>> -> memref<4096xi32, #tpu.memory_space<hbm>>
      tpu.enqueue_dma source(%arg29 : memref<4096xi32, #tpu.memory_space<vmem>>) target(%dma_start3A_146 : memref<4096xi32, #tpu.memory_space<hbm>>) target_semaphore(%arg40 : memref<!tpu.dma_semaphore, #tpu.memory_space<semaphore_mem>>)
      %dma_start3A_147 = tpu.memref_slice %arg11[%add3A_142] : memref<4194304xf32, #tpu.memory_space<hbm>> -> memref<4096xf32, #tpu.memory_space<hbm>>
      %dma_start3A_148 = tpu.memref_slice %arg11[%add3A_142] : memref<4194304xf32, #tpu.memory_space<hbm>> -> memref<4096xf32, #tpu.memory_space<hbm>>
      tpu.enqueue_dma source(%arg30 : memref<4096xf32, #tpu.memory_space<vmem>>) target(%dma_start3A_148 : memref<4096xf32, #tpu.memory_space<hbm>>) target_semaphore(%arg40 : memref<!tpu.dma_semaphore, #tpu.memory_space<semaphore_mem>>)
      %dma_start3A_149 = tpu.memref_slice %arg13[%add3A_142] : memref<4194304xf32, #tpu.memory_space<hbm>> -> memref<4096xf32, #tpu.memory_space<hbm>>
      %dma_start3A_150 = tpu.memref_slice %arg13[%add3A_142] : memref<4194304xf32, #tpu.memory_space<hbm>> -> memref<4096xf32, #tpu.memory_space<hbm>>
      tpu.enqueue_dma source(%arg31 : memref<4096xf32, #tpu.memory_space<vmem>>) target(%dma_start3A_150 : memref<4096xf32, #tpu.memory_space<hbm>>) target_semaphore(%arg40 : memref<!tpu.dma_semaphore, #tpu.memory_space<semaphore_mem>>)
      %dma_start3A_151 = tpu.memref_slice %arg14[%add3A_142] : memref<4194304xf32, #tpu.memory_space<hbm>> -> memref<4096xf32, #tpu.memory_space<hbm>>
      %dma_start3A_152 = tpu.memref_slice %arg14[%add3A_142] : memref<4194304xf32, #tpu.memory_space<hbm>> -> memref<4096xf32, #tpu.memory_space<hbm>>
      tpu.enqueue_dma source(%arg32 : memref<4096xf32, #tpu.memory_space<vmem>>) target(%dma_start3A_152 : memref<4096xf32, #tpu.memory_space<hbm>>) target_semaphore(%arg40 : memref<!tpu.dma_semaphore, #tpu.memory_space<semaphore_mem>>)
      scf.yield %parallel_loop3A_137 : vector<16xf32>
    }
    %scan3A_17 = arith.constant 16 : i32
    %dma_wait3A = arith.constant 0 : i32
    %dma_wait3A_18 = tpu.memref_slice %arg9[%dma_wait3A] : memref<4194304xi32, #tpu.memory_space<hbm>> -> memref<4096xi32, #tpu.memory_space<hbm>>
    %dma_wait3A_19 = arith.constant 0 : i32
    %dma_wait3A_20 = tpu.memref_slice %arg9[%dma_wait3A_19] : memref<4194304xi32, #tpu.memory_space<hbm>> -> memref<4096xi32, #tpu.memory_space<hbm>>
    tpu.wait_dma2 semaphore(%arg39 : memref<!tpu.dma_semaphore, #tpu.memory_space<semaphore_mem>>) src(%arg23 : memref<4096xi32, #tpu.memory_space<vmem>>) dst(%dma_wait3A_20 : memref<4096xi32, #tpu.memory_space<hbm>>)
    %dma_wait3A_21 = arith.constant 0 : i32
    %dma_wait3A_22 = tpu.memref_slice %arg10[%dma_wait3A_21] : memref<4194304xi32, #tpu.memory_space<hbm>> -> memref<4096xi32, #tpu.memory_space<hbm>>
    %dma_wait3A_23 = arith.constant 0 : i32
    %dma_wait3A_24 = tpu.memref_slice %arg10[%dma_wait3A_23] : memref<4194304xi32, #tpu.memory_space<hbm>> -> memref<4096xi32, #tpu.memory_space<hbm>>
    tpu.wait_dma2 semaphore(%arg39 : memref<!tpu.dma_semaphore, #tpu.memory_space<semaphore_mem>>) src(%arg24 : memref<4096xi32, #tpu.memory_space<vmem>>) dst(%dma_wait3A_24 : memref<4096xi32, #tpu.memory_space<hbm>>)
    %dma_wait3A_25 = arith.constant 0 : i32
    %dma_wait3A_26 = tpu.memref_slice %arg11[%dma_wait3A_25] : memref<4194304xf32, #tpu.memory_space<hbm>> -> memref<4096xf32, #tpu.memory_space<hbm>>
    %dma_wait3A_27 = arith.constant 0 : i32
    %dma_wait3A_28 = tpu.memref_slice %arg11[%dma_wait3A_27] : memref<4194304xf32, #tpu.memory_space<hbm>> -> memref<4096xf32, #tpu.memory_space<hbm>>
    tpu.wait_dma2 semaphore(%arg39 : memref<!tpu.dma_semaphore, #tpu.memory_space<semaphore_mem>>) src(%arg25 : memref<4096xf32, #tpu.memory_space<vmem>>) dst(%dma_wait3A_28 : memref<4096xf32, #tpu.memory_space<hbm>>)
    %dma_wait3A_29 = arith.constant 0 : i32
    %dma_wait3A_30 = tpu.memref_slice %arg13[%dma_wait3A_29] : memref<4194304xf32, #tpu.memory_space<hbm>> -> memref<4096xf32, #tpu.memory_space<hbm>>
    %dma_wait3A_31 = arith.constant 0 : i32
    %dma_wait3A_32 = tpu.memref_slice %arg13[%dma_wait3A_31] : memref<4194304xf32, #tpu.memory_space<hbm>> -> memref<4096xf32, #tpu.memory_space<hbm>>
    tpu.wait_dma2 semaphore(%arg39 : memref<!tpu.dma_semaphore, #tpu.memory_space<semaphore_mem>>) src(%arg26 : memref<4096xf32, #tpu.memory_space<vmem>>) dst(%dma_wait3A_32 : memref<4096xf32, #tpu.memory_space<hbm>>)
    %dma_wait3A_33 = arith.constant 0 : i32
    %dma_wait3A_34 = tpu.memref_slice %arg14[%dma_wait3A_33] : memref<4194304xf32, #tpu.memory_space<hbm>> -> memref<4096xf32, #tpu.memory_space<hbm>>
    %dma_wait3A_35 = arith.constant 0 : i32
    %dma_wait3A_36 = tpu.memref_slice %arg14[%dma_wait3A_35] : memref<4194304xf32, #tpu.memory_space<hbm>> -> memref<4096xf32, #tpu.memory_space<hbm>>
    tpu.wait_dma2 semaphore(%arg39 : memref<!tpu.dma_semaphore, #tpu.memory_space<semaphore_mem>>) src(%arg27 : memref<4096xf32, #tpu.memory_space<vmem>>) dst(%dma_wait3A_36 : memref<4096xf32, #tpu.memory_space<hbm>>)
    %dma_wait3A_37 = arith.constant 0 : i32
    %dma_wait3A_38 = tpu.memref_slice %arg9[%dma_wait3A_37] : memref<4194304xi32, #tpu.memory_space<hbm>> -> memref<4096xi32, #tpu.memory_space<hbm>>
    %dma_wait3A_39 = arith.constant 0 : i32
    %dma_wait3A_40 = tpu.memref_slice %arg9[%dma_wait3A_39] : memref<4194304xi32, #tpu.memory_space<hbm>> -> memref<4096xi32, #tpu.memory_space<hbm>>
    tpu.wait_dma2 semaphore(%arg40 : memref<!tpu.dma_semaphore, #tpu.memory_space<semaphore_mem>>) src(%arg28 : memref<4096xi32, #tpu.memory_space<vmem>>) dst(%dma_wait3A_40 : memref<4096xi32, #tpu.memory_space<hbm>>)
    %dma_wait3A_41 = arith.constant 0 : i32
    %dma_wait3A_42 = tpu.memref_slice %arg10[%dma_wait3A_41] : memref<4194304xi32, #tpu.memory_space<hbm>> -> memref<4096xi32, #tpu.memory_space<hbm>>
    %dma_wait3A_43 = arith.constant 0 : i32
    %dma_wait3A_44 = tpu.memref_slice %arg10[%dma_wait3A_43] : memref<4194304xi32, #tpu.memory_space<hbm>> -> memref<4096xi32, #tpu.memory_space<hbm>>
    tpu.wait_dma2 semaphore(%arg40 : memref<!tpu.dma_semaphore, #tpu.memory_space<semaphore_mem>>) src(%arg29 : memref<4096xi32, #tpu.memory_space<vmem>>) dst(%dma_wait3A_44 : memref<4096xi32, #tpu.memory_space<hbm>>)
    %dma_wait3A_45 = arith.constant 0 : i32
    %dma_wait3A_46 = tpu.memref_slice %arg11[%dma_wait3A_45] : memref<4194304xf32, #tpu.memory_space<hbm>> -> memref<4096xf32, #tpu.memory_space<hbm>>
    %dma_wait3A_47 = arith.constant 0 : i32
    %dma_wait3A_48 = tpu.memref_slice %arg11[%dma_wait3A_47] : memref<4194304xf32, #tpu.memory_space<hbm>> -> memref<4096xf32, #tpu.memory_space<hbm>>
    tpu.wait_dma2 semaphore(%arg40 : memref<!tpu.dma_semaphore, #tpu.memory_space<semaphore_mem>>) src(%arg30 : memref<4096xf32, #tpu.memory_space<vmem>>) dst(%dma_wait3A_48 : memref<4096xf32, #tpu.memory_space<hbm>>)
    %dma_wait3A_49 = arith.constant 0 : i32
    %dma_wait3A_50 = tpu.memref_slice %arg13[%dma_wait3A_49] : memref<4194304xf32, #tpu.memory_space<hbm>> -> memref<4096xf32, #tpu.memory_space<hbm>>
    %dma_wait3A_51 = arith.constant 0 : i32
    %dma_wait3A_52 = tpu.memref_slice %arg13[%dma_wait3A_51] : memref<4194304xf32, #tpu.memory_space<hbm>> -> memref<4096xf32, #tpu.memory_space<hbm>>
    tpu.wait_dma2 semaphore(%arg40 : memref<!tpu.dma_semaphore, #tpu.memory_space<semaphore_mem>>) src(%arg31 : memref<4096xf32, #tpu.memory_space<vmem>>) dst(%dma_wait3A_52 : memref<4096xf32, #tpu.memory_space<hbm>>)
    %dma_wait3A_53 = arith.constant 0 : i32
    %dma_wait3A_54 = tpu.memref_slice %arg14[%dma_wait3A_53] : memref<4194304xf32, #tpu.memory_space<hbm>> -> memref<4096xf32, #tpu.memory_space<hbm>>
    %dma_wait3A_55 = arith.constant 0 : i32
    %dma_wait3A_56 = tpu.memref_slice %arg14[%dma_wait3A_55] : memref<4194304xf32, #tpu.memory_space<hbm>> -> memref<4096xf32, #tpu.memory_space<hbm>>
    tpu.wait_dma2 semaphore(%arg40 : memref<!tpu.dma_semaphore, #tpu.memory_space<semaphore_mem>>) src(%arg32 : memref<4096xf32, #tpu.memory_space<vmem>>) dst(%dma_wait3A_56 : memref<4096xf32, #tpu.memory_space<hbm>>)
    %swap3A = arith.constant 0 : index
    %swap3A_57 = tpu.vector_load %arg36[%swap3A] {strides = array<i32>} : memref<16xf32, #tpu.memory_space<vmem>>, vector<16xf32>,
    tpu.vector_store %arg36[%swap3A], %scan3A_16 {strides = array<i32>} : memref<16xf32, #tpu.memory_space<vmem>>, vector<16xf32>,
    "tpu.region"() ({
      %run_scoped3A = tpu.sem_alloc : memref<!tpu.dma_semaphore, #tpu.memory_space<semaphore_mem>>
      %dma_start3A_58 = arith.constant 0 : i32
      %dma_start3A_59 = tpu.memref_slice %arg12[%add3A, %dma_start3A_58] : memref<32x16xf32, #tpu.memory_space<hbm>> -> memref<1x16xf32, #tpu.memory_space<hbm>>
      %dma_start3A_60 = tpu.memref_squeeze %dma_start3A_59 : memref<1x16xf32, #tpu.memory_space<hbm>> -> memref<16xf32, #tpu.memory_space<hbm>>
      %dma_start3A_61 = arith.constant 0 : i32
      %dma_start3A_62 = tpu.memref_slice %arg12[%add3A, %dma_start3A_61] : memref<32x16xf32, #tpu.memory_space<hbm>> -> memref<1x16xf32, #tpu.memory_space<hbm>>
      %dma_start3A_63 = tpu.memref_squeeze %dma_start3A_62 : memref<1x16xf32, #tpu.memory_space<hbm>> -> memref<16xf32, #tpu.memory_space<hbm>>
      tpu.enqueue_dma source(%arg36 : memref<16xf32, #tpu.memory_space<vmem>>) target(%dma_start3A_63 : memref<16xf32, #tpu.memory_space<hbm>>) target_semaphore(%run_scoped3A : memref<!tpu.dma_semaphore, #tpu.memory_space<semaphore_mem>>)
      %dma_wait3A_64 = arith.constant 0 : i32
      %dma_wait3A_65 = tpu.memref_slice %arg12[%add3A, %dma_wait3A_64] : memref<32x16xf32, #tpu.memory_space<hbm>> -> memref<1x16xf32, #tpu.memory_space<hbm>>
      %dma_wait3A_66 = tpu.memref_squeeze %dma_wait3A_65 : memref<1x16xf32, #tpu.memory_space<hbm>> -> memref<16xf32, #tpu.memory_space<hbm>>
      %dma_wait3A_67 = arith.constant 0 : i32
      %dma_wait3A_68 = tpu.memref_slice %arg12[%add3A, %dma_wait3A_67] : memref<32x16xf32, #tpu.memory_space<hbm>> -> memref<1x16xf32, #tpu.memory_space<hbm>>
      %dma_wait3A_69 = tpu.memref_squeeze %dma_wait3A_68 : memref<1x16xf32, #tpu.memory_space<hbm>> -> memref<16xf32, #tpu.memory_space<hbm>>
      tpu.wait_dma2 semaphore(%run_scoped3A : memref<!tpu.dma_semaphore, #tpu.memory_space<semaphore_mem>>) src(%arg36 : memref<16xf32, #tpu.memory_space<vmem>>) dst(%dma_wait3A_69 : memref<16xf32, #tpu.memory_space<hbm>>)
      tpu.yield
    }) : () -> ()
    return
  }
}

</mosaic_0001>

<sc_bundles>
// kernel: kernel.3.cloned.1.call-start
scs
__scs_entry_jumppad:
0x0: {  	(pc) =	sbr.rel $0x88, $3  }
0x1: {  	(tag) =	ssettag $0x0;
	lr =	simm.s32 $0x1  }
0x2: {  	[smem:$0x3F9A] =	sst lr;
	_ =	strace $0xD0000000  }
0x3: {  	_ = 	snop  }
0x4: {  	_ = 	snop  }
0x5: {  	_ = 	snop  }
0x6: {  	_ = 	snop  }
0x7: {  	_ = 	snop  }
__scs_overlays_trampoline_lowered:
0x8: {  	[smem:$0x3FA9] =	sst s0  }
0x9: {  	[smem:$0x3FAA] =	sst s1  }
0xa: {  	[smem:$0x3FAB] =	sst s2  }
0xb: {  	[smem:$0x3FAC] =	sst s3  }
0xc: {  	[smem:$0x3FAD] =	sst s4  }
0xd: {  	[smem:$0x3FAE] =	sst s5  }
0xe: {  	[smem:$0x3FAF] =	sst s6  }
0xf: {  	[smem:$0x3FB0] =	sst s7  }
0x10: {  	[smem:$0x3FB1] =	sst s8  }
0x11: {  	[smem:$0x3FB2] =	sst s9;
	s0 =	simm.s32 @!p0 $0x0  }
0x12: {  	s1 =	sld [smem:$0x3F98];
	s0 =	simm.s32 @p0 $0x1  }
0x13: {  	[smem:$0x3FB3] =	sst s0;
	s0 =	simm.s32 @!p1 $0x0  }
0x14: {  	s2 =	sld [smem:$0x3F97];
	s0 =	simm.s32 @p1 $0x1  }
0x15: {  	[smem:$0x3FB4] =	sst s0;
	s0 =	simm.s32 @!p2 $0x0  }
0x16: {  	s3 =	sld [smem:$0x3FDB];
	s0 =	simm.s32 @p2 $0x1  }
0x17: {  	s4 =	simm.s32 $0x1BF5;
	[smem:$0x3FB6] =	sst s0  }
0x18: {  	s0 =	sld [smem:$0x3F99];
	_ =	swait.ge [sflag:s4], $0x0  }
0x19: {  	s7 =	sld [smem:$0x3F9A]  }
0x1a: {  	s8 =	sadd.s32 $0xFFFFE003, lr  }
0x1b: {  	s9 =	sadd.s32 $0xFFFFFEF7, lr;
	s5 =	simm.s32 $0xFFFFFFFF;
	p2 =	slt.u32 s8, $0xFFFFF086  }
0x1c: {  	p1 =	slt.u32 s9, $0xF7A;
	s5 =	simm.s32 @!p2 $0x0  }
0x1d: {  	s5 =	simm.s32 @p1 $0x1;
	p0 =	seq.s32 s7, s2  }
0x1e: {  	s7 =	smul.u32 @!p0 $0xF7A, s2;
	p2 =	seq.s32 @!p0 s5, $0x0  }
0x1f: {  	s9 =	smul.u32 $0xF7A, s1;
	s8 =	simm.s32 @!p0 $0x1BF5;
	p2 =	por !p2, p0  }
0x20: {  	[sflag:s8] =	ssyncset.s32 @!p0 $0xFFFFF086;
	s6 =	sadd.s32 @!p0 s3, s7;
	s7 =	simm.s32 @!p0 $0x108  }
0x21: {  	s3 =	sadd.s32 s3, s9;
	s6 =	sadd.s32 @!p0 $0x88, s6;
	s7 =	simm.s32 @p2 $0x1082  }
0x22: {  	[simem:s7], [sflag:s8] =	dma.local @!p0 [hbm:s6], $0xF7A  }
0x23: {  	s9 =	sor.u32 $0xD0000000, s2;
	s6 =	simm.s32 $0x108;
	_ =	swait.ge @!p0 [sflag:s8], $0x0  }
0x24: {  	s3 =	sadd.s32 $0x88, s3;
	s6 =	simm.s32 @!p1 $0x1082;
	[sflag:s4] =	ssyncset.s32 $0xFFFFF086  }
0x25: {  	[simem:s6], [sflag:s4] =	dma.local [hbm:s3], $0xF7A  }
0x26: {  	[smem:$0x3F9A] =	sst s1;
	(tag) =	ssettag s2;
	_ =	strace s9  }
0x27: {  	s1 =	sld [smem:$0x3FAA]  }
0x28: {  	s2 =	sld [smem:$0x3FAB]  }
0x29: {  	s4 =	sld [smem:$0x3FAD]  }
0x2a: {  	p0 =	seq.s32 s5, $0x0;
	s5 =	sld [smem:$0x3FAE]  }
0x2b: {  	s6 =	sld [smem:$0x3FAF]  }
0x2c: {  	s7 =	sld [smem:$0x3FB0]  }
0x2d: {  	s3 =	simm.s32 $0x108;
	s8 =	sld [smem:$0x3FB1]  }
0x2e: {  	s3 =	simm.s32 @!p0 $0x1082;
	s9 =	sld [smem:$0x3FB2]  }
0x2f: {  	lr =	sadd.s32 s0, s3;
	s0 =	sld [smem:$0x3FA9]  }
0x30: {  	s3 =	sld [smem:$0x3FAC]  }
0x31: {  	[smem:$0x3FB5] =	sst s10  }
0x32: {  	s10 =	sld [smem:$0x3FB3];
	_ =	sdelay $0x3  }
0x33: {  	p0 =	seq.s32 s10, $0x1;
	s10 =	sld [smem:$0x3FB5];
	_ =	sdelay $0x3  }
0x34: {  	[smem:$0x3FB5] =	sst s10  }
0x35: {  	s10 =	sld [smem:$0x3FB4];
	_ =	sdelay $0x3  }
0x36: {  	p1 =	seq.s32 s10, $0x1;
	s10 =	sld [smem:$0x3FB5];
	_ =	sdelay $0x3  }
0x37: {  	[smem:$0x3FB5] =	sst s10  }
0x38: {  	s10 =	sld [smem:$0x3FB6]  }
0x39: {  	_ = 	snop;
	(pc) =	sbr.ind lr, $3  }
0x3a: {  	_ = 	snop  }
0x3b: {  	_ = 	snop  }
0x3c: {  	p2 =	seq.s32 s10, $0x1;
	s10 =	sld [smem:$0x3FB5]  }
0x3d: {  	_ =	shalt  }
0x3e: {  	_ =	shalt  }
0x3f: {  	_ =	shalt  }
0x40: {  	_ =	shalt  }
0x41: {  	_ =	shalt  }
0x42: {  	_ =	shalt  }
0x43: {  	_ =	shalt  }
0x44: {  	_ =	shalt  }
0x45: {  	_ =	shalt  }
0x46: {  	_ =	shalt  }
0x47: {  	_ =	shalt  }
0x48: {  	_ =	shalt  }
0x49: {  	_ =	shalt  }
0x4a: {  	_ =	shalt  }
0x4b: {  	_ =	shalt  }
0x4c: {  	_ =	shalt  }
0x4d: {  	_ =	shalt  }
0x4e: {  	_ =	shalt  }
0x4f: {  	_ =	shalt  }
0x50: {  	_ =	shalt  }
0x51: {  	_ =	shalt  }
0x52: {  	_ =	shalt  }
0x53: {  	_ =	shalt  }
0x54: {  	_ =	shalt  }
0x55: {  	_ =	shalt  }
0x56: {  	_ =	shalt  }
0x57: {  	_ =	shalt  }
0x58: {  	_ =	shalt  }
0x59: {  	_ =	shalt  }
0x5a: {  	_ =	shalt  }
0x5b: {  	_ =	shalt  }
0x5c: {  	_ =	shalt  }
0x5d: {  	_ =	shalt  }
0x5e: {  	_ =	shalt  }
0x5f: {  	_ =	shalt  }
0x60: {  	_ =	shalt  }
0x61: {  	_ =	shalt  }
0x62: {  	_ =	shalt  }
0x63: {  	_ =	shalt  }
0x64: {  	_ =	shalt  }
0x65: {  	_ =	shalt  }
0x66: {  	_ =	shalt  }
0x67: {  	_ =	shalt  }
0x68: {  	_ =	shalt  }
0x69: {  	_ =	shalt  }
0x6a: {  	_ =	shalt  }
0x6b: {  	_ =	shalt  }
0x6c: {  	_ =	shalt  }
0x6d: {  	_ =	shalt  }
0x6e: {  	_ =	shalt  }
0x6f: {  	_ =	shalt  }
0x70: {  	_ =	shalt  }
0x71: {  	_ =	shalt  }
0x72: {  	_ =	shalt  }
0x73: {  	_ =	shalt  }
0x74: {  	_ =	shalt  }
0x75: {  	_ =	shalt  }
0x76: {  	_ =	shalt  }
0x77: {  	_ =	shalt  }
0x78: {  	_ =	shalt  }
0x79: {  	_ =	shalt  }
0x7a: {  	_ =	shalt  }
0x7b: {  	_ =	shalt  }
0x7c: {  	_ =	shalt  }
0x7d: {  	_ =	shalt  }
0x7e: {  	_ =	shalt  }
0x7f: {  	_ =	shalt  }
0x80: {  	_ =	shalt  }
0x81: {  	_ =	shalt  }
0x82: {  	_ =	shalt  }
0x83: {  	_ =	shalt  }
0x84: {  	_ =	shalt  }
0x85: {  	_ =	shalt  }
0x86: {  	_ =	shalt  }
0x87: {  	_ =	shalt  }
.Lfunc_end0:
.L_simem_size_0:
called_computation_lowered:
.L_overlay_start_0:
0x88: {  	s2 =	sld [smem:$0x3FD9]  }
0x89: {  	s3 =	sld [smem:$0x3FFE];
	_ =	sdelay $0x1  }
0x8a: {  	s1 =	srdreg.scid  }
0x8b: {  	s0 =	sand.u32 $0x1, s1  }
0x8c: {  	s28 =	sshll.u32 s0, $0xA;
	s2 =	sadd.s32 s3, s2  }
0x8d: {  	s2 =	sadd.s32 s2, s28  }
0x8e: {  	[smem:$0x3FC1] =	sst s2  }
0x8f: {  	_ = 	snop  }
0x90: {  	s2 =	sld [smem:$0x3FC9]  }
0x91: {  	s3 =	sld [smem:$0x3FC8]  }
0x92: {  	s4 =	sld [smem:$0x3FC7]  }
0x93: {  	s5 =	sld [smem:$0x3FC6]  }
0x94: {  	s6 =	sld [smem:$0x3FD0]  }
0x95: {  	s7 =	sld [smem:$0x3FC5]  }
0x96: {  	s8 =	sld [smem:$0x3FC4]  }
0x97: {  	s10 =	simm.s32 $0xA;
	s11 =	simm.s32 $0x10;
	s9 =	sld [smem:$0x3FC3]  }
0x98: {  	[smem:s11], [sflag:s10] =	dma.local [hbm:s6], $0x1  }
0x99: {  	_ =	swait.eq [sflag:s10], $0x1  }
0x9a: {  	s29 =	sld [smem:$0x10]  }
0x9b: {  	s30 =	sld [smem:$0x11]  }
0x9c: {  	s12 =	sld [smem:$0x12];
	[sflag:s10] =	ssyncset.done $0x0  }
0x9d: {  	s13 =	sld [smem:$0x14];
	[sflag:s10] =	ssyncadd.s32 $0xFFFFFFFF  }
0x9e: {  	s31 =	sld [smem:$0x15];
	(tm) =	ssettm $0x1  }
0x9f: {  	s14 =	sld [smem:$0x3FFB];
	_ =	sdelay $0x3  }
0xa0: {  	_ =	strace s14  }
0xa1: {  	s14 =	sld [smem:$0x3FFC];
	_ =	sdelay $0x3  }
0xa2: {  	_ =	strace s14  }
0xa3: {  	s14 =	sld [smem:$0x3FFD];
	_ =	sdelay $0x3  }
0xa4: {  	_ =	strace s14  }
0xa5: {  	_ =	strace $0x8FFFFFFF  }
0xa6: {  	s19 =	sld [smem:$0x3FDB];
	_ =	sdelay $0x1  }
0xa7: {  	s15 =	simm.s32 $_scs_section_size  }
0xa8: {  	s16 =	simm.s32 $_size__tile_overlayer_lowered;
	s17 =	simm.s32 $_tile_overlayer_lowered  }
0xa9: {  	s22 =	simm.s32 $0x1BFF;
	s21 =	sshll.u32 s17, $0x1;
	s14 =	sadd.s32 s15, s19  }
0xaa: {  	s18 =	simm.s32 $0x0;
	s20 =	sshll.u32 s16, $0x1;
	s16 =	sadd.s32 s21, s14  }
0xab: {  	[timem:s18], [sflag:s22] =	dma.local [hbm:s16], s20  }
0xac: {  	_ =	swait.ge [sflag:s22], s20  }
0xad: {  	s15 =	ssub.s32 $0x0, s20;
	[sflag:s22] =	ssyncset.done $0x0  }
0xae: {  	[sflag:s22] =	ssyncadd.s32 s15;
	_ =	sdelay $0x1  }
0xaf: {  	s23 =	simm.s32 $0x1B8B  }
0xb0: {  	_ =	swait.ge [sflag:s23], $0x1  }
0xb1: {  	[sflag:s23] =	ssyncset.done $0x0  }
0xb2: {  	s25 =	simm.s32 $0x1B8E;
	s24 =	sld [smem:$0x3FFE];
	[sflag:s23] =	ssyncadd.s32 $0xFFFFFFFF  }
0xb3: {  	s26 =	simm.s32 $execute0_lowered;
	[smem:$0x3FD2] =	sst s25  }
0xb4: {  	s16 =	sshll.u32 s26, $0x1;
	_ =	strace $0x80000046;
	[dreg:$0x1] =	wrdreg $0xFFFFFFFF  }
0xb5: {  	s28 =	simm.s32 $_size_execute0_lowered;
	s14 =	sadd.s32 s14, s16;
	[dreg:$0x0] =	wrdreg $0x0  }
0xb6: {  	s16 =	sshll.u32 s28, $0x1;
	[dreg:$0x2] =	wrdreg s14  }
0xb7: {  	[dreg:$0x3] =	wrdreg s16  }
0xb8: {  	[dreg:$0x4] =	wrdreg $0xC0  }
0xb9: {  	_ =	task [dreg:s18], $0x5FFFF  }
0xba: {  	[dreg:$0x1] =	wrdreg $0xFFFFFFFF  }
0xbb: {  	[dreg:$0x0] =	wrdreg $0x60  }
0xbc: {  	[dreg:$0x2] =	wrdreg s2  }
0xbd: {  	[dreg:$0x3] =	wrdreg s3  }
0xbe: {  	[dreg:$0x4] =	wrdreg s4  }
0xbf: {  	[dreg:$0x5] =	wrdreg s5  }
0xc0: {  	[dreg:$0x6] =	wrdreg s7  }
0xc1: {  	[dreg:$0x7] =	wrdreg s8  }
0xc2: {  	[dreg:$0x8] =	wrdreg s9  }
0xc3: {  	[dreg:$0x9] =	wrdreg s29  }
0xc4: {  	[dreg:$0xa] =	wrdreg s30  }
0xc5: {  	[dreg:$0xb] =	wrdreg s12  }
0xc6: {  	[dreg:$0xc] =	wrdreg s24  }
0xc7: {  	[dreg:$0xd] =	wrdreg s13  }
0xc8: {  	[dreg:$0xe] =	wrdreg s31  }
0xc9: {  	[dreg:$0xf] =	wrdreg $0x9  }
0xca: {  	_ =	task.clear_ibuf [dreg:s18], $0x10FFFF;
	_ =	strace $0x90000046  }
0xcb: {  	s29 =	simm.s32 $0x9;
	_ =	strace $0x80000048  }
0xcc: {  	_ =	swait.ge [sflag:s29], $0x1  }
0xcd: {  	[sflag:s29] =	ssyncadd.s32 $0xFFFFFFFF  }
0xce: {  	_ =	strace $0x90000048  }
0xcf: {  	_ =	sfence  }
0xd0: {  	s30 =	sld [smem:$0x0];
	_ =	sdelay $0x2  }
0xd1: {  	s31 =	sshll.u32 s1, $0xD;
	s1 =	sshrl.u32 s1, $0x2  }
0xd2: {  	s3 =	sand.u32 $0x4000, s31;
	s1 =	sadd.s32 s1, s30  }
0xd3: {  	s0 =	sor.u32 s3, s0;
	s1 =	sshll.u32 s1, $0x11  }
0xd4: {  	s0 =	sor.u32 s1, s0  }
0xd5: {  	s0 =	sadd.s32 $0x8F2B, s0  }
0xd6: {  	[sflag:s0] =	ssyncadd.remote.s32 $0x1  }
0xd7: {  	_ =	sfence.sel $0xFFFF  }
0xd8: {  	[dreg:$0x0] =	wrdreg $0xFFFFFFFF;
	(pc) =	sbr.abs _section_cstart, $3  }
0xd9: {  	[dreg:$0x1] =	wrdreg $0xFFFFFFFF  }
0xda: {  	_ =	task.clear_ibuf [dreg:s18], $0x2FFFF;
	_ =	strace $0x9FFFFFFF  }
0xdb: {  	(tm) =	ssettm $0x7FFFFFFF  }
tec
execute0_lowered:
.L_overlay_start_1:
0x0: {  	(tag) =	ssettag $0x1  }
0x1: {  	s0 =	rddreg [dreg:$0x0]  }
0x2: {  	s1 =	rddreg [dreg:$0x1]  }
0x3: {  	s2 =	rddreg [dreg:$0x2]  }
0x4: {  	s3 =	rddreg [dreg:$0x3]  }
0x5: {  	s8 =	rddreg [dreg:$0x7]  }
0x6: {  	s9 =	rddreg [dreg:$0x8]  }
0x7: {  	s10 =	rddreg [dreg:$0x9]  }
0x8: {  	s4 =	rddreg [dreg:$0xa]  }
0x9: {  	s11 =	rddreg [dreg:$0xb]  }
0xa: {  	s12 =	rddreg [dreg:$0xc]  }
0xb: {  	s14 =	simm.s32 $0x0;
	s5 =	srdreg.scid;
	s15 =	stileid.u32  }
0xc: {  	s23 =	simm.s32 $0x12000;
	s17 =	simm.s32 $0x2;
	[smem:$0x7FF] =	sst s14  }
0xd: {  	s5 =	sand.u32 $0x1, s5;
	s6 =	sshll.u32 s15, $0x4;
	_ =	strace $0x80000047  }
0xe: {  	s7 =	ssub.s32 $0x2, s5;
	s6 =	sand.u32 $0x70, s6;
	s5 =	sshll.u32 s5, $0x4  }
0xf: {  	s13 =	sshrl.u32 s7, $0x1;
	s4 =	sadd.s32 s6, s4;
	s5 =	sor.u32 s15, s5  }
0x10: {  	s6 =	simm.s32 $0x5;
	s25 =	ssub.s32 s7, s13;
	s26 =	sshll.u32 s5, $0xE  }
0x11: {  	s15 =	sshll.u32 s5, $0x11;
	s5 =	sshll.u32 s5, $0x4;
	s28 =	sadd.s32 s0, s26  }
0x12: {  	s29 =	sadd.s32 s1, s26;
	s5 =	sand.u32 $0x180, s5;
	[dreg:$0xe] =	wrdreg s28  }
0x13: {  	s30 =	sadd.s32 s2, s26;
	s7 =	sadd.s32 s3, s26;
	[dreg:$0xf] =	wrdreg s29  }
0x14: {  	s20 =	sor.u32 $0x2000, s15;
	s31 =	smax.u32 s25, $0x1;
	[dreg:$0x10] =	wrdreg s30  }
0x15: {  	s25 =	simm.s32 $0x12080;
	[dreg:$0x11] =	wrdreg s7;
	s4 =	sadd.s32 s5, s4  }
0x16: {  	s26 =	simm.s32 $0x12100;
	[dreg:$0x13] =	wrdreg s31;
	s4 =	sadd.s32 $0x400, s4  }
0x17: {  	s5 =	simm.s32 $0x1;
	s7 =	simm.s32 $0x0;
	[dreg:$0x12] =	wrdreg s4  }
.LBB2_1:
0x18: {  	[dreg:$0x14] =	wrdreg s7  }
0x19: {  	s4 =	rddreg [dreg:$0x4]  }
0x1a: {  	[tilespmem:s23], [sflag:$0x5] =	stream.linear.gather [hbm4b:s4+s14], $0x80, $0x38;
	[tilespmem:$0x12580] =	vst v63  }
0x1b: {  	_ =	swait.ge [sflag:s6], $0x80  }
0x1c: {  	[sflag:s6] =	ssyncset.done $0x0  }
0x1d: {  	[sflag:s6] =	ssyncadd.s32 $0xFFFFFF80  }
0x1e: {  	s16 =	rddreg [dreg:$0x5]  }
0x1f: {  	[tilespmem:s25], [sflag:$0x5] =	stream.linear.gather [hbm4b:s16+s14], $0x80, $0x38;
	[tilespmem:$0x12580] =	vst v63  }
0x20: {  	_ =	swait.ge [sflag:s6], $0x80  }
0x21: {  	[sflag:s6] =	ssyncset.done $0x0  }
0x22: {  	[sflag:s6] =	ssyncadd.s32 $0xFFFFFF80  }
0x23: {  	s18 =	rddreg [dreg:$0x6]  }
0x24: {  	[tilespmem:s26], [sflag:$0x5] =	stream.linear.gather [hbm4b:s18+s14], $0x400, $0x38;
	[tilespmem:$0x12580] =	vst v63  }
0x25: {  	_ =	swait.ge [sflag:s6], $0x400  }
0x26: {  	[sflag:s6] =	ssyncset.done $0x0  }
0x27: {  	s19 =	rddreg [dreg:$0xe];
	[sflag:s6] =	ssyncadd.s32 $0xFFFFFC00  }
0x28: {  	[tilespmem:s14], [sflag:$0x1] =	stream.linear.gather [hbm4b:s19+s14], $0x1000, $0x38;
	[tilespmem:$0x12580] =	vst v63  }
0x29: {  	s22 =	simm.s32 $0x1000;
	s21 =	rddreg [dreg:$0xf]  }
0x2a: {  	[tilespmem:s22], [sflag:$0x1] =	stream.linear.gather [hbm4b:s21+s14], $0x1000, $0x38;
	[tilespmem:$0x12580] =	vst v63  }
0x2b: {  	s28 =	simm.s32 $0x2000;
	s24 =	rddreg [dreg:$0x10]  }
0x2c: {  	[tilespmem:s28], [sflag:$0x1] =	stream.linear.gather [hbm4b:s24+s14], $0x1000, $0x38;
	[tilespmem:$0x12580] =	vst v63  }
0x2d: {  	s30 =	simm.s32 $0x3000;
	s31 =	simm.s32 $0x0;
	s29 =	rddreg [dreg:$0x11]  }
0x2e: {  	v0 =	vimm.f32 $0.0e+00;
	[tilespmem:s30], [sflag:$0x1] =	stream.linear.gather [hbm4b:s29+s14], $0x1000, $0x38;
	[tilespmem:$0x12580] =	vst v63  }
.LBB2_2:
0x2f: {  	s13 =	sshll.u32 s31, $0xD  }
0x30: {  	s4 =	sor.u32 s13, s15  }
0x31: {  	s4 =	sshrl.u32 s4, $0x3  }
0x32: {  	s7 =	sor.u32 $0x200, s4  }
0x33: {  	s16 =	simm.s32 $0x4000;
	s6 =	sadd.s32 s0, s7  }
0x34: {  	[tilespmem:s16], [sflag:$0x2] =	stream.linear.gather [hbm4b:s6+s14], $0x1000, $0x38;
	[tilespmem:$0x12580] =	vst v63  }
0x35: {  	s24 =	simm.s32 $0x5000;
	s22 =	sadd.s32 s1, s7  }
0x36: {  	[tilespmem:s24], [sflag:$0x2] =	stream.linear.gather [hbm4b:s22+s14], $0x1000, $0x38;
	[tilespmem:$0x12580] =	vst v63  }
0x37: {  	s18 =	simm.s32 $0x6000;
	s16 =	sadd.s32 s2, s7  }
0x38: {  	[tilespmem:s18], [sflag:$0x2] =	stream.linear.gather [hbm4b:s16+s14], $0x1000, $0x38;
	[tilespmem:$0x12580] =	vst v63  }
0x39: {  	s21 =	simm.s32 $0x7000;
	s19 =	sadd.s32 s3, s7  }
0x3a: {  	[tilespmem:s21], [sflag:$0x2] =	stream.linear.gather [hbm4b:s19+s14], $0x1000, $0x38;
	[tilespmem:$0x12580] =	vst v63  }
0x3b: {  	_ =	swait.ge [sflag:s5], $0x1000  }
0x3c: {  	[sflag:s5] =	ssyncset.done $0x0  }
0x3d: {  	[sflag:s5] =	ssyncadd.s32 $0xFFFFF000  }
0x3e: {  	_ =	swait.ge [sflag:s5], $0x1000  }
0x3f: {  	[sflag:s5] =	ssyncset.done $0x0  }
0x40: {  	[sflag:s5] =	ssyncadd.s32 $0xFFFFF000  }
0x41: {  	_ =	swait.ge [sflag:s5], $0x1000  }
0x42: {  	[sflag:s5] =	ssyncset.done $0x0  }
0x43: {  	[sflag:s5] =	ssyncadd.s32 $0xFFFFF000  }
0x44: {  	_ =	swait.ge [sflag:s5], $0x1000  }
0x45: {  	p0 =	seq.s32 s31, $0x0;
	[sflag:s5] =	ssyncset.done $0x0  }
0x46: {  	s6 =	simm.s32 @!p0 $0x3;
	[sflag:s5] =	ssyncadd.s32 $0xFFFFF000  }
0x47: {  	_ =	swait.ge @!p0 [sflag:s6], $0x1000  }
0x48: {  	[sflag:s6] =	ssyncset.done @!p0 $0x0  }
0x49: {  	[sflag:s6] =	ssyncadd.s32 @!p0 $0xFFFFF000  }
0x4a: {  	_ =	swait.ge @!p0 [sflag:s6], $0x1000  }
0x4b: {  	[sflag:s6] =	ssyncset.done @!p0 $0x0  }
0x4c: {  	[sflag:s6] =	ssyncadd.s32 @!p0 $0xFFFFF000  }
0x4d: {  	_ =	swait.ge @!p0 [sflag:s6], $0x1000  }
0x4e: {  	[sflag:s6] =	ssyncset.done @!p0 $0x0  }
0x4f: {  	[sflag:s6] =	ssyncadd.s32 @!p0 $0xFFFFF000  }
0x50: {  	_ =	swait.ge @!p0 [sflag:s6], $0x1000  }
0x51: {  	[sflag:s6] =	ssyncset.done @!p0 $0x0  }
0x52: {  	[sflag:s6] =	ssyncadd.s32 @!p0 $0xFFFFF000  }
0x53: {  	_ =	swait.ge @!p0 [sflag:s6], $0x1000  }
0x54: {  	[sflag:s6] =	ssyncset.done @!p0 $0x0  }
0x55: {  	s22 =	simm.s32 $0x10;
	[sflag:s6] =	ssyncadd.s32 @!p0 $0xFFFFF000  }
0x56: {  	s24 =	simm.s32 $0x2010;
	v1 =	vld [tilespmem:s22+$0xFFFFFFF0]  }
0x57: {  	s18 =	simm.s32 $0x1010;
	v2 =	vld [tilespmem:s24+$0xFFFFFFF0]  }
0x58: {  	s19 =	simm.s32 $0x3010;
	v3 =	vld [tilespmem:s18+$0xFFFFFFF0]  }
0x59: {  	v4 =	vld [tilespmem:s19+$0xFFFFFFF0]  }
0x5a: {  	v5 =	vld [tilespmem:s22+$0x0]  }
0x5b: {  	v6 =	vld [tilespmem:s24+$0x0]  }
0x5c: {  	v7 =	vld [tilespmem:s18+$0x0]  }
0x5d: {  	s16 =	simm.s32 $0x2030;
	v8 =	vld [tilespmem:s19+$0x0]  }
0x5e: {  	s21 =	simm.s32 $0x3030;
	v12 =	vld [tilespmem:s16+$0x0]  }
0x5f: {  	s6 =	simm.s32 $0x2050;
	v14 =	vld [tilespmem:s21+$0x0]  }
0x60: {  	s19 =	simm.s32 $0x30;
	v16 =	vld [tilespmem:s6+$0xFFFFFFF0]  }
0x61: {  	s18 =	simm.s32 $0x1030;
	v9 =	vld [tilespmem:s19+$0x0]  }
0x62: {  	v13 =	vld [tilespmem:s18+$0x0];
	v1 =	vadd.s32 v1, v2  }
0x63: {  	s24 =	simm.s32 $0x8010;
	v2 =	vadd.s32 v3, v4;
	v3 =	vld [tilespmem:s19+$0xFFFFFFF0];
	v5 =	vadd.s32 v5, v6;
	v1 =	vand.u32 $0x3F, v1  }
0x64: {  	v4 =	vld [tilespmem:s16+$0xFFFFFFF0];
	v5 =	vand.u32 $0x3F, v5;
	[tilespmem:s24+$0xFFFFFFF0] =	vst v1  }
0x65: {  	s22 =	simm.s32 $0x9010;
	v6 =	vld [tilespmem:s18+$0xFFFFFFF0];
	v7 =	vadd.s32 v7, v8;
	v2 =	vand.u32 $0x3FF, v2;
	[tilespmem:s24+$0x0] =	vst v5  }
0x66: {  	v8 =	vld [tilespmem:s21+$0xFFFFFFF0];
	s16 =	simm.s32 $0x1050;
	v7 =	vand.u32 $0x3FF, v7;
	[tilespmem:s22+$0xFFFFFFF0] =	vst v2  }
0x67: {  	v17 =	vld [tilespmem:s16+$0xFFFFFFF0];
	[tilespmem:s22+$0x0] =	vst v7;
	s22 =	simm.s32 $0x50  }
0x68: {  	v15 =	vld [tilespmem:s22+$0xFFFFFFF0]  }
0x69: {  	v10 =	vld.idx.msk [tilespmem:v1+s23+$0x0], $0xffff  }
0x6a: {  	v2 =	vld.idx.msk [tilespmem:v2+s26+$0x0], $0xffff  }
0x6b: {  	v11 =	vld.idx.msk [tilespmem:v5+s23+$0x0], $0xffff  }
0x6c: {  	v3 =	vadd.s32 v3, v4;
	v7 =	vld.idx.msk [tilespmem:v7+s26+$0x0], $0xffff  }
0x6d: {  	v4 =	vadd.s32 v6, v8;
	v1 =	vld.idx.msk [tilespmem:v1+s25+$0x0], $0xffff;
	v6 =	vand.u32 $0x3F, v3  }
0x6e: {  	v5 =	vld.idx.msk [tilespmem:v5+s25+$0x0], $0xffff;
	v3 =	vand.u32 $0x3FF, v4;
	v4 =	vadd.s32 v9, v12  }
0x6f: {  	s30 =	simm.s32 $0x8030;
	s19 =	simm.s32 $0x3050;
	v9 =	vld [tilespmem:s6+$0x0];
	v18 =	vand.u32 $0x3F, v4;
	v4 =	vadd.s32 v13, v14  }
0x70: {  	s18 =	simm.s32 $0x9030;
	v13 =	vld [tilespmem:s19+$0xFFFFFFF0];
	[tilespmem:s30+$0xFFFFFFF0] =	vst v6;
	v8 =	vand.u32 $0x3FF, v4  }
0x71: {  	v4 =	vld [tilespmem:s22+$0x0];
	[tilespmem:s18+$0xFFFFFFF0] =	vst v3  }
0x72: {  	[tilespmem:s30+$0x0] =	vst v18;
	v10 =	vmul.f32 v2, v10;
	v1 =	vmul.f32 v2, v1;
	v12 =	vld.idx.msk [tilespmem:v6+s23+$0x0], $0xffff  }
0x73: {  	s24 =	simm.s32 $0xA010;
	[tilespmem:s18+$0x0] =	vst v8;
	v11 =	vmul.f32 v7, v11;
	v2 =	vld.idx.msk [tilespmem:v3+s26+$0x0], $0xffff;
	v7 =	vmul.f32 v7, v5  }
0x74: {  	v5 =	vld.idx.msk [tilespmem:v18+s23+$0x0], $0xffff;
	[tilespmem:s24+$0xFFFFFFF0] =	vst v10;
	v1 =	vmul.f32 $-9.817477310e-02, v1  }
0x75: {  	s28 =	simm.s32 $0xB010;
	[tilespmem:s24+$0x0] =	vst v11;
	v3 =	vld.idx.msk [tilespmem:v8+s26+$0x0], $0xffff;
	v7 =	vmul.f32 $-9.817477310e-02, v7  }
0x76: {  	v0 =	vadd.f32 v10, v0;
	v8 =	vld [tilespmem:s16+$0x0];
	[tilespmem:s28+$0xFFFFFFF0] =	vst v1;
	v1 =	vmul.f32 $9.775171050e-04, v11  }
0x77: {  	s29 =	simm.s32 $0xC010;
	v14 =	vmul.f32 $9.775171050e-04, v10;
	v10 =	vld [tilespmem:s19+$0x0];
	[tilespmem:s28+$0x0] =	vst v7  }
0x78: {  	v6 =	vld.idx.msk [tilespmem:v6+s25+$0x0], $0xffff;
	v0 =	vadd.f32 v11, v0;
	[tilespmem:s29+$0x0] =	vst v1;
	v1 =	vmul.f32 v2, v12  }
0x79: {  	s21 =	simm.s32 $0xA030;
	s22 =	simm.s32 $0x40;
	s24 =	simm.s32 $0x70;
	v11 =	vadd.s32 v17, v13;
	v7 =	vld.idx.msk [tilespmem:v18+s25+$0x0], $0xffff;
	[tilespmem:s29+$0xFFFFFFF0] =	vst v14;
	v12 =	vadd.s32 v15, v16  }
.LBB2_3:
0x7a: {  	v13 =	vld [tilespmem:s24+$0xFFFFFFF0];
	v12 =	vand.u32 $0x3F, v12;
	s6 =	sadd.s32 $0x20, s6;
	[tilespmem:s21+$0xFFFFFFF0] =	vst v1;
	v0 =	vadd.f32 v1, v0;
	v5 =	vmul.f32 v3, v5  }
0x7b: {  	v11 =	vand.u32 $0x3FF, v11;
	v4 =	vadd.s32 v4, v9;
	s16 =	sadd.s32 $0x20, s16;
	v1 =	vmul.f32 $9.775171050e-04, v1;
	v14 =	vld [tilespmem:s6+$0xFFFFFFF0]  }
0x7c: {  	s19 =	sadd.s32 $0x20, s19;
	s30 =	sadd.s32 $0x20, s30;
	v16 =	vand.u32 $0x3F, v4;
	v15 =	vld [tilespmem:s16+$0xFFFFFFF0];
	v4 =	vadd.s32 v8, v10;
	[tilespmem:s21+$0x0] =	vst v5;
	v0 =	vadd.f32 v5, v0  }
0x7d: {  	s18 =	sadd.s32 $0x20, s18;
	v18 =	vmul.f32 $9.775171050e-04, v5;
	v17 =	vld [tilespmem:s19+$0xFFFFFFF0];
	[tilespmem:s30+$0xFFFFFFF0] =	vst v12;
	v8 =	vand.u32 $0x3FF, v4  }
0x7e: {  	v5 =	vmul.f32 v2, v6;
	v4 =	vld [tilespmem:s24+$0x0];
	[tilespmem:s18+$0xFFFFFFF0] =	vst v11  }
0x7f: {  	v3 =	vmul.f32 v3, v7;
	v19 =	vld.idx.msk [tilespmem:v12+s23+$0x0], $0xffff;
	[tilespmem:s30+$0x0] =	vst v16  }
0x80: {  	v6 =	vmul.f32 $-9.817477310e-02, v5;
	v2 =	vld.idx.msk [tilespmem:v11+s26+$0x0], $0xffff;
	[tilespmem:s18+$0x0] =	vst v8  }
0x81: {  	s28 =	sadd.s32 $0x20, s28;
	s22 =	sadd.s32 $0x20, s22;
	v7 =	vmul.f32 $-9.817477310e-02, v3;
	v5 =	vld.idx.msk [tilespmem:v16+s23+$0x0], $0xffff  }
0x82: {  	s29 =	sadd.s32 $0x20, s29;
	p1 =	slt.u32 s22, $0xFE0;
	v3 =	vld.idx.msk [tilespmem:v8+s26+$0x0], $0xffff;
	[tilespmem:s28+$0xFFFFFFF0] =	vst v6  }
.Ltmp0:
0x83: {  	v9 =	vld [tilespmem:s6+$0x0];
	[tilespmem:s29+$0xFFFFFFF0] =	vst v1;
	(pc) =	sbr.rel @p1 .LBB2_3-.Ltmp0, $4  }
0x84: {  	v8 =	vld [tilespmem:s16+$0x0];
	[tilespmem:s28+$0x0] =	vst v7  }
0x85: {  	v10 =	vld [tilespmem:s19+$0x0];
	[tilespmem:s29+$0x0] =	vst v18  }
0x86: {  	v1 =	vmul.f32 v2, v19;
	v6 =	vld.idx.msk [tilespmem:v12+s25+$0x0], $0xffff  }
0x87: {  	s21 =	sadd.s32 $0x20, s21;
	s24 =	sadd.s32 $0x20, s24;
	v11 =	vadd.s32 v15, v17;
	v12 =	vadd.s32 v13, v14;
	v7 =	vld.idx.msk [tilespmem:v16+s25+$0x0], $0xffff  }
0x88: {  	v12 =	vand.u32 $0x3F, v12  }
0x89: {  	v11 =	vand.u32 $0x3FF, v11  }
0x8a: {  	v4 =	vadd.s32 v4, v9;
	s6 =	sadd.s32 $0x20, s30  }
0x8b: {  	s16 =	sadd.s32 $0x20, s18;
	v4 =	vand.u32 $0x3F, v4;
	[tilespmem:s6+$0xFFFFFFF0] =	vst v12  }
0x8c: {  	v8 =	vadd.s32 v8, v10;
	[tilespmem:s16+$0xFFFFFFF0] =	vst v11  }
0x8d: {  	v8 =	vand.u32 $0x3FF, v8;
	v9 =	vld.idx.msk [tilespmem:v12+s23+$0x0], $0xffff  }
0x8e: {  	[tilespmem:s6+$0x0] =	vst v4;
	v10 =	vld.idx.msk [tilespmem:v11+s26+$0x0], $0xffff  }
0x8f: {  	v6 =	vmul.f32 v2, v6;
	v2 =	vmul.f32 v3, v5;
	[tilespmem:s16+$0x0] =	vst v8;
	v5 =	vld.idx.msk [tilespmem:v12+s25+$0x0], $0xffff  }
0x90: {  	v3 =	vmul.f32 v3, v7;
	v11 =	vld.idx.msk [tilespmem:v4+s23+$0x0], $0xffff  }
0x91: {  	[tilespmem:s21+$0xFFFFFFF0] =	vst v1;
	v6 =	vmul.f32 $-9.817477310e-02, v6;
	v12 =	vld.idx.msk [tilespmem:v4+s25+$0x0], $0xffff  }
0x92: {  	s16 =	sadd.s32 $0x20, s28;
	[tilespmem:s21+$0x0] =	vst v2;
	v3 =	vmul.f32 $-9.817477310e-02, v3;
	v7 =	vld.idx.msk [tilespmem:v8+s26+$0x0], $0xffff  }
0x93: {  	[tilespmem:s16+$0xFFFFFFF0] =	vst v6;
	v6 =	vmul.f32 $9.775171050e-04, v2  }
0x94: {  	s19 =	sadd.s32 $0x20, s29;
	v8 =	vmul.f32 $9.775171050e-04, v1;
	[tilespmem:s16+$0x0] =	vst v3;
	v5 =	vmul.f32 v10, v5  }
0x95: {  	[tilespmem:s19+$0x0] =	vst v6;
	v4 =	vmul.f32 v10, v9  }
0x96: {  	s21 =	sadd.s32 $0x20, s21;
	[tilespmem:s19+$0xFFFFFFF0] =	vst v8;
	v5 =	vmul.f32 $-9.817477310e-02, v5  }
0x97: {  	s6 =	sadd.s32 $0x20, s16;
	[tilespmem:s21+$0xFFFFFFF0] =	vst v4;
	v3 =	vmul.f32 v7, v11;
	v6 =	vmul.f32 v7, v12  }
0x98: {  	v7 =	vmul.f32 $9.775171050e-04, v4;
	[tilespmem:s6+$0xFFFFFFF0] =	vst v5  }
0x99: {  	s16 =	sadd.s32 $0x20, s19;
	[tilespmem:s21+$0x0] =	vst v3;
	v6 =	vmul.f32 $-9.817477310e-02, v6  }
0x9a: {  	v5 =	vmul.f32 $9.775171050e-04, v3;
	[tilespmem:s16+$0xFFFFFFF0] =	vst v7  }
0x9b: {  	[tilespmem:s6+$0x0] =	vst v6  }
0x9c: {  	s22 =	sadd.s32 s8, s4;
	s24 =	simm.s32 $0x8000;
	[tilespmem:s16+$0x0] =	vst v5  }
0x9d: {  	[hbm4b:s22+s14] =	stream.linear.scatter [tilespmem:s24], [sflag:$0x3], $0x1000, $0x38;
	[tilespmem:$0x12580] =	vst v63  }
0x9e: {  	s18 =	simm.s32 $0x9000;
	p1 =	seq.s32 s31, $0xF;
	s16 =	sadd.s32 s9, s4  }
0x9f: {  	[hbm4b:s16+s14] =	stream.linear.scatter [tilespmem:s18], [sflag:$0x3], $0x1000, $0x38;
	[tilespmem:$0x12580] =	vst v63  }
0xa0: {  	s19 =	sadd.s32 s10, s4;
	s21 =	simm.s32 $0xA000;
	s22 =	sadd.s32 s11, s4  }
0xa1: {  	[hbm4b:s19+s14] =	stream.linear.scatter [tilespmem:s21], [sflag:$0x3], $0x1000, $0x38;
	[tilespmem:$0x12580] =	vst v63  }
0xa2: {  	s24 =	simm.s32 $0xB000;
	s16 =	sadd.s32 s12, s4;
	s4 =	sadd.s32 @!p1 s13, s20  }
0xa3: {  	[hbm4b:s22+s14] =	stream.linear.scatter [tilespmem:s24], [sflag:$0x3], $0x1000, $0x38;
	[tilespmem:$0x12580] =	vst v63  }
0xa4: {  	s18 =	simm.s32 $0xC000;
	s4 =	sshrl.u32 @!p1 s4, $0x3  }
0xa5: {  	[hbm4b:s16+s14] =	stream.linear.scatter [tilespmem:s18], [sflag:$0x3], $0x1000, $0x38;
	[tilespmem:$0x12580] =	vst v63  }
0xa6: {  	s13 =	simm.s32 @!p1 $0x0;
	s6 =	sadd.s32 @!p1 s0, s4  }
0xa7: {  	[tilespmem:s13], [sflag:$0x1] =	stream.linear.gather @!p1 [hbm4b:s6+s13], $0x1000, $0x38;
	[tilespmem:$0x12580] =	vst v63  }
0xa8: {  	s16 =	simm.s32 @!p1 $0x1000;
	s6 =	sadd.s32 @!p1 s1, s4  }
0xa9: {  	[tilespmem:s16], [sflag:$0x1] =	stream.linear.gather @!p1 [hbm4b:s6+s13], $0x1000, $0x38;
	[tilespmem:$0x12580] =	vst v63  }
0xaa: {  	s6 =	sadd.s32 @!p1 s2, s4;
	s16 =	simm.s32 @!p1 $0x2000  }
0xab: {  	[tilespmem:s16], [sflag:$0x1] =	stream.linear.gather @!p1 [hbm4b:s6+s13], $0x1000, $0x38;
	[tilespmem:$0x12580] =	vst v63  }
0xac: {  	s4 =	sadd.s32 @!p1 s3, s4;
	s6 =	simm.s32 @!p1 $0x3000  }
0xad: {  	[tilespmem:s6], [sflag:$0x1] =	stream.linear.gather @!p1 [hbm4b:s4+s13], $0x1000, $0x38;
	[tilespmem:$0x12580] =	vst v63  }
0xae: {  	_ =	swait.ge [sflag:s17], $0x1000  }
0xaf: {  	[sflag:s17] =	ssyncset.done $0x0  }
0xb0: {  	[sflag:s17] =	ssyncadd.s32 $0xFFFFF000  }
0xb1: {  	_ =	swait.ge [sflag:s17], $0x1000  }
0xb2: {  	[sflag:s17] =	ssyncset.done $0x0  }
0xb3: {  	[sflag:s17] =	ssyncadd.s32 $0xFFFFF000  }
0xb4: {  	_ =	swait.ge [sflag:s17], $0x1000  }
0xb5: {  	[sflag:s17] =	ssyncset.done $0x0  }
0xb6: {  	[sflag:s17] =	ssyncadd.s32 $0xFFFFF000  }
0xb7: {  	_ =	swait.ge [sflag:s17], $0x1000  }
0xb8: {  	[sflag:s17] =	ssyncset.done $0x0  }
0xb9: {  	s4 =	simm.s32 @!p0 $0x4;
	[sflag:s17] =	ssyncadd.s32 $0xFFFFF000  }
0xba: {  	_ =	swait.ge @!p0 [sflag:s4], $0x1000  }
0xbb: {  	[sflag:s4] =	ssyncset.done @!p0 $0x0  }
0xbc: {  	[sflag:s4] =	ssyncadd.s32 @!p0 $0xFFFFF000  }
0xbd: {  	_ =	swait.ge @!p0 [sflag:s4], $0x1000  }
0xbe: {  	[sflag:s4] =	ssyncset.done @!p0 $0x0  }
0xbf: {  	[sflag:s4] =	ssyncadd.s32 @!p0 $0xFFFFF000  }
0xc0: {  	_ =	swait.ge @!p0 [sflag:s4], $0x1000  }
0xc1: {  	[sflag:s4] =	ssyncset.done @!p0 $0x0  }
0xc2: {  	[sflag:s4] =	ssyncadd.s32 @!p0 $0xFFFFF000  }
0xc3: {  	_ =	swait.ge @!p0 [sflag:s4], $0x1000  }
0xc4: {  	[sflag:s4] =	ssyncset.done @!p0 $0x0  }
0xc5: {  	[sflag:s4] =	ssyncadd.s32 @!p0 $0xFFFFF000  }
0xc6: {  	_ =	swait.ge @!p0 [sflag:s4], $0x1000  }
0xc7: {  	[sflag:s4] =	ssyncset.done @!p0 $0x0  }
0xc8: {  	s19 =	simm.s32 $0x4010;
	[sflag:s4] =	ssyncadd.s32 @!p0 $0xFFFFF000  }
0xc9: {  	s21 =	simm.s32 $0x6010;
	v5 =	vld [tilespmem:s19+$0xFFFFFFF0]  }
0xca: {  	s22 =	simm.s32 $0x5010;
	v6 =	vld [tilespmem:s21+$0xFFFFFFF0]  }
0xcb: {  	s24 =	simm.s32 $0x7010;
	v7 =	vld [tilespmem:s22+$0xFFFFFFF0]  }
0xcc: {  	v8 =	vld [tilespmem:s24+$0xFFFFFFF0]  }
0xcd: {  	v9 =	vld [tilespmem:s19+$0x0]  }
0xce: {  	v10 =	vld [tilespmem:s21+$0x0]  }
0xcf: {  	v11 =	vld [tilespmem:s22+$0x0]  }
0xd0: {  	s16 =	simm.s32 $0x4030;
	v12 =	vld [tilespmem:s24+$0x0]  }
0xd1: {  	s6 =	simm.s32 $0x5050;
	v13 =	vld [tilespmem:s16+$0x0]  }
0xd2: {  	s22 =	simm.s32 $0x6030;
	v62 =	vld [tilespmem:s6+$0xFFFFFFF0]  }
0xd3: {  	s24 =	simm.s32 $0x5030;
	v16 =	vld [tilespmem:s22+$0x0]  }
0xd4: {  	s21 =	simm.s32 $0x7030;
	v17 =	vld [tilespmem:s24+$0x0]  }
0xd5: {  	v18 =	vld [tilespmem:s21+$0x0];
	v5 =	vadd.s32 v5, v6  }
0xd6: {  	v6 =	vadd.s32 v7, v8;
	v7 =	vld [tilespmem:s16+$0xFFFFFFF0];
	v5 =	vand.u32 $0x3F, v5  }
0xd7: {  	v8 =	vld [tilespmem:s22+$0xFFFFFFF0];
	v9 =	vadd.s32 v9, v10;
	v6 =	vand.u32 $0x3FF, v6  }
0xd8: {  	s18 =	simm.s32 $0xD010;
	v10 =	vld [tilespmem:s24+$0xFFFFFFF0];
	v9 =	vand.u32 $0x3F, v9  }
0xd9: {  	s19 =	simm.s32 $0xE010;
	v11 =	vadd.s32 v11, v12;
	v12 =	vld [tilespmem:s21+$0xFFFFFFF0];
	s16 =	simm.s32 $0x7050;
	[tilespmem:s18+$0xFFFFFFF0] =	vst v5  }
0xda: {  	v11 =	vand.u32 $0x3FF, v11;
	v63 =	vld [tilespmem:s16+$0xFFFFFFF0];
	[tilespmem:s19+$0xFFFFFFF0] =	vst v6  }
0xdb: {  	[tilespmem:s18+$0x0] =	vst v9;
	v14 =	vld.idx.msk [tilespmem:v5+s23+$0x0], $0xffff  }
0xdc: {  	[tilespmem:s19+$0x0] =	vst v11;
	v6 =	vld.idx.msk [tilespmem:v6+s26+$0x0], $0xffff  }
0xdd: {  	v15 =	vld.idx.msk [tilespmem:v9+s23+$0x0], $0xffff  }
0xde: {  	v19 =	vld.idx.msk [tilespmem:v5+s25+$0x0], $0xffff;
	v5 =	vadd.s32 v7, v8  }
0xdf: {  	v11 =	vld.idx.msk [tilespmem:v11+s26+$0x0], $0xffff;
	v8 =	vadd.s32 v10, v12;
	v20 =	vand.u32 $0x3F, v5  }
0xe0: {  	s22 =	simm.s32 $0x4050;
	v7 =	vld.idx.msk [tilespmem:v9+s25+$0x0], $0xffff;
	v5 =	vadd.s32 v13, v16;
	v8 =	vand.u32 $0x3FF, v8  }
0xe1: {  	v0 =	vadd.f32 v1, v0;
	s13 =	simm.s32 $0xD030;
	s4 =	simm.s32 $0x6050;
	v1 =	vadd.s32 v17, v18;
	v12 =	vld [tilespmem:s22+$0xFFFFFFF0];
	v21 =	vand.u32 $0x3F, v5  }
0xe2: {  	s28 =	simm.s32 $0xE030;
	v9 =	vand.u32 $0x3FF, v1;
	v13 =	vld [tilespmem:s4+$0xFFFFFFF0];
	[tilespmem:s13+$0xFFFFFFF0] =	vst v20  }
0xe3: {  	v0 =	vadd.f32 v2, v0;
	v5 =	vld [tilespmem:s22+$0x0];
	[tilespmem:s28+$0xFFFFFFF0] =	vst v8  }
0xe4: {  	[tilespmem:s13+$0x0] =	vst v21;
	v10 =	vmul.f32 v6, v14;
	v14 =	vld.idx.msk [tilespmem:v20+s23+$0x0], $0xffff  }
0xe5: {  	v0 =	vadd.f32 v4, v0;
	[tilespmem:s28+$0x0] =	vst v9;
	v2 =	vmul.f32 v6, v19;
	v1 =	vld.idx.msk [tilespmem:v8+s26+$0x0], $0xffff  }
0xe6: {  	s24 =	simm.s32 $0xF010;
	v6 =	vmul.f32 v11, v15;
	v7 =	vmul.f32 v11, v7;
	v4 =	vld.idx.msk [tilespmem:v21+s23+$0x0], $0xffff  }
0xe7: {  	v0 =	vadd.f32 v3, v0;
	[tilespmem:s24+$0xFFFFFFF0] =	vst v10;
	v8 =	vmul.f32 $-9.817477310e-02, v2;
	v2 =	vld.idx.msk [tilespmem:v9+s26+$0x0], $0xffff  }
0xe8: {  	s29 =	simm.s32 $0x10010;
	[tilespmem:s24+$0x0] =	vst v6;
	v7 =	vmul.f32 $-9.817477310e-02, v7;
	v9 =	vld [tilespmem:s4+$0x0]  }
0xe9: {  	v3 =	vmul.f32 $9.775171050e-04, v10;
	v0 =	vadd.f32 v10, v0;
	v10 =	vld [tilespmem:s16+$0x0];
	[tilespmem:s29+$0xFFFFFFF0] =	vst v8  }
0xea: {  	s30 =	simm.s32 $0x11010;
	v11 =	vmul.f32 $9.775171050e-04, v6;
	v8 =	vld [tilespmem:s6+$0x0];
	[tilespmem:s29+$0x0] =	vst v7  }
0xeb: {  	v0 =	vadd.f32 v6, v0;
	v6 =	vld.idx.msk [tilespmem:v20+s25+$0x0], $0xffff;
	[tilespmem:s30+$0xFFFFFFF0] =	vst v3;
	v3 =	vmul.f32 v1, v14  }
0xec: {  	s21 =	simm.s32 $0x4070;
	s18 =	simm.s32 $0xF030;
	s19 =	simm.s32 $0x40;
	v12 =	vadd.s32 v12, v13;
	v7 =	vld.idx.msk [tilespmem:v21+s25+$0x0], $0xffff;
	[tilespmem:s30+$0x0] =	vst v11;
	v11 =	vadd.s32 v62, v63  }
.LBB2_5:
0xed: {  	v13 =	vld [tilespmem:s21+$0xFFFFFFF0];
	v12 =	vand.u32 $0x3F, v12;
	s4 =	sadd.s32 $0x20, s4;
	[tilespmem:s18+$0xFFFFFFF0] =	vst v3;
	v0 =	vadd.f32 v3, v0;
	v4 =	vmul.f32 v2, v4  }
0xee: {  	v11 =	vand.u32 $0x3FF, v11;
	v5 =	vadd.s32 v5, v9;
	s6 =	sadd.s32 $0x20, s6;
	v3 =	vmul.f32 $9.775171050e-04, v3;
	v14 =	vld [tilespmem:s4+$0xFFFFFFF0]  }
0xef: {  	s16 =	sadd.s32 $0x20, s16;
	s13 =	sadd.s32 $0x20, s13;
	v16 =	vand.u32 $0x3F, v5;
	v15 =	vld [tilespmem:s6+$0xFFFFFFF0];
	v5 =	vadd.s32 v8, v10;
	[tilespmem:s18+$0x0] =	vst v4;
	v0 =	vadd.f32 v4, v0  }
0xf0: {  	s28 =	sadd.s32 $0x20, s28;
	v18 =	vmul.f32 $9.775171050e-04, v4;
	v17 =	vld [tilespmem:s16+$0xFFFFFFF0];
	[tilespmem:s13+$0xFFFFFFF0] =	vst v12;
	v8 =	vand.u32 $0x3FF, v5  }
0xf1: {  	v4 =	vmul.f32 v1, v6;
	v5 =	vld [tilespmem:s21+$0x0];
	[tilespmem:s28+$0xFFFFFFF0] =	vst v11  }
0xf2: {  	v2 =	vmul.f32 v2, v7;
	v19 =	vld.idx.msk [tilespmem:v12+s23+$0x0], $0xffff;
	[tilespmem:s13+$0x0] =	vst v16  }
0xf3: {  	v6 =	vmul.f32 $-9.817477310e-02, v4;
	v1 =	vld.idx.msk [tilespmem:v11+s26+$0x0], $0xffff;
	[tilespmem:s28+$0x0] =	vst v8  }
0xf4: {  	s29 =	sadd.s32 $0x20, s29;
	s19 =	sadd.s32 $0x20, s19;
	v7 =	vmul.f32 $-9.817477310e-02, v2;
	v4 =	vld.idx.msk [tilespmem:v16+s23+$0x0], $0xffff  }
0xf5: {  	s30 =	sadd.s32 $0x20, s30;
	p0 =	slt.u32 s19, $0xFE0;
	v2 =	vld.idx.msk [tilespmem:v8+s26+$0x0], $0xffff;
	[tilespmem:s29+$0xFFFFFFF0] =	vst v6  }
.Ltmp1:
0xf6: {  	v9 =	vld [tilespmem:s4+$0x0];
	[tilespmem:s30+$0xFFFFFFF0] =	vst v3;
	(pc) =	sbr.rel @p0 .LBB2_5-.Ltmp1, $4  }
0xf7: {  	v8 =	vld [tilespmem:s6+$0x0];
	[tilespmem:s29+$0x0] =	vst v7  }
0xf8: {  	v10 =	vld [tilespmem:s16+$0x0];
	[tilespmem:s30+$0x0] =	vst v18  }
0xf9: {  	v3 =	vmul.f32 v1, v19;
	v6 =	vld.idx.msk [tilespmem:v12+s25+$0x0], $0xffff  }
0xfa: {  	s18 =	sadd.s32 $0x20, s18;
	s21 =	sadd.s32 $0x20, s21;
	v11 =	vadd.s32 v15, v17;
	v12 =	vadd.s32 v13, v14;
	v7 =	vld.idx.msk [tilespmem:v16+s25+$0x0], $0xffff  }
0xfb: {  	v12 =	vand.u32 $0x3F, v12  }
0xfc: {  	v11 =	vand.u32 $0x3FF, v11  }
0xfd: {  	v5 =	vadd.s32 v5, v9;
	s4 =	sadd.s32 $0x20, s13  }
0xfe: {  	s6 =	sadd.s32 $0x20, s28;
	v5 =	vand.u32 $0x3F, v5;
	[tilespmem:s4+$0xFFFFFFF0] =	vst v12  }
0xff: {  	v8 =	vadd.s32 v8, v10;
	[tilespmem:s6+$0xFFFFFFF0] =	vst v11  }
0x100: {  	v8 =	vand.u32 $0x3FF, v8;
	v54 =	vld.idx.msk [tilespmem:v12+s23+$0x0], $0xffff  }
0x101: {  	[tilespmem:s4+$0x0] =	vst v5;
	v55 =	vld.idx.msk [tilespmem:v11+s26+$0x0], $0xffff  }
0x102: {  	v1 =	vmul.f32 v1, v6;
	[tilespmem:s6+$0x0] =	vst v8;
	v57 =	vld.idx.msk [tilespmem:v12+s25+$0x0], $0xffff  }
0x103: {  	v4 =	vmul.f32 v2, v4;
	v56 =	vld.idx.msk [tilespmem:v5+s23+$0x0], $0xffff  }
0x104: {  	[tilespmem:s18+$0xFFFFFFF0] =	vst v3;
	v2 =	vmul.f32 v2, v7;
	v1 =	vmul.f32 $-9.817477310e-02, v1;
	v5 =	vld.idx.msk [tilespmem:v5+s25+$0x0], $0xffff  }
0x105: {  	v59 =	vmul.f32 $9.775171050e-04, v3;
	s28 =	sadd.s32 $0x20, s29;
	[tilespmem:s18+$0x0] =	vst v4;
	v58 =	vld.idx.msk [tilespmem:v8+s26+$0x0], $0xffff  }
0x106: {  	s29 =	sadd.s32 $0x20, s30;
	v2 =	vmul.f32 $-9.817477310e-02, v2;
	[tilespmem:s28+$0xFFFFFFF0] =	vst v1  }
0x107: {  	v1 =	vmul.f32 $9.775171050e-04, v4;
	[tilespmem:s29+$0xFFFFFFF0] =	vst v59;
	v60 =	vmul.f32 v55, v57  }
0x108: {  	[tilespmem:s28+$0x0] =	vst v2;
	v2 =	vmul.f32 v55, v54  }
0x109: {  	s30 =	sadd.s32 $0x20, s18;
	[tilespmem:s29+$0x0] =	vst v1;
	v61 =	vmul.f32 $-9.817477310e-02, v60  }
0x10a: {  	s4 =	sadd.s32 $0x20, s28;
	[tilespmem:s30+$0xFFFFFFF0] =	vst v2;
	v1 =	vmul.f32 v58, v56;
	v5 =	vmul.f32 v58, v5  }
0x10b: {  	v62 =	vmul.f32 $9.775171050e-04, v2;
	[tilespmem:s4+$0xFFFFFFF0] =	vst v61  }
0x10c: {  	s6 =	sadd.s32 $0x20, s29;
	[tilespmem:s30+$0x0] =	vst v1;
	v5 =	vmul.f32 $-9.817477310e-02, v5  }
0x10d: {  	v63 =	vmul.f32 $9.775171050e-04, v1;
	[tilespmem:s6+$0xFFFFFFF0] =	vst v62  }
0x10e: {  	[tilespmem:s4+$0x0] =	vst v5  }
0x10f: {  	s13 =	sadd.s32 s8, s7;
	s16 =	simm.s32 $0xD000;
	[tilespmem:s6+$0x0] =	vst v63  }
0x110: {  	[hbm4b:s13+s14] =	stream.linear.scatter [tilespmem:s16], [sflag:$0x4], $0x1000, $0x38;
	[tilespmem:$0x12580] =	vst v63  }
0x111: {  	s19 =	simm.s32 $0xE000;
	s31 =	sadd.s32 $0x1, s31;
	s18 =	sadd.s32 s9, s7  }
0x112: {  	[hbm4b:s18+s14] =	stream.linear.scatter [tilespmem:s19], [sflag:$0x4], $0x1000, $0x38;
	[tilespmem:$0x12580] =	vst v63  }
0x113: {  	s21 =	sadd.s32 s10, s7;
	s22 =	simm.s32 $0xF000;
	v0 =	vadd.f32 v3, v0;
	p0 =	sne.s32 s31, $0x10  }
0x114: {  	[hbm4b:s21+s14] =	stream.linear.scatter [tilespmem:s22], [sflag:$0x4], $0x1000, $0x38;
	[tilespmem:$0x12580] =	vst v63  }
.Ltmp2:
0x115: {  	v0 =	vadd.f32 v4, v0;
	(pc) =	sbr.rel @p0 .LBB2_2-.Ltmp2, $4  }
0x116: {  	s24 =	sadd.s32 s11, s7;
	s28 =	simm.s32 $0x10000  }
0x117: {  	v0 =	vadd.f32 v2, v0;
	[hbm4b:s24+s14] =	stream.linear.scatter [tilespmem:s28], [sflag:$0x4], $0x1000, $0x38;
	[tilespmem:$0x12580] =	vst v63  }
0x118: {  	s29 =	sadd.s32 s12, s7;
	s30 =	simm.s32 $0x11000  }
0x119: {  	v0 =	vadd.f32 v1, v0;
	[hbm4b:s29+s14] =	stream.linear.scatter [tilespmem:s30], [sflag:$0x4], $0x1000, $0x38;
	[tilespmem:$0x12580] =	vst v63  }
0x11a: {  	s4 =	simm.s32 $0x3  }
0x11b: {  	_ =	swait.ge [sflag:s4], $0x1000  }
0x11c: {  	[sflag:s4] =	ssyncset.done $0x0  }
0x11d: {  	[sflag:s4] =	ssyncadd.s32 $0xFFFFF000  }
0x11e: {  	_ =	swait.ge [sflag:s4], $0x1000  }
0x11f: {  	[sflag:s4] =	ssyncset.done $0x0  }
0x120: {  	[sflag:s4] =	ssyncadd.s32 $0xFFFFF000  }
0x121: {  	_ =	swait.ge [sflag:s4], $0x1000  }
0x122: {  	[sflag:s4] =	ssyncset.done $0x0  }
0x123: {  	[sflag:s4] =	ssyncadd.s32 $0xFFFFF000  }
0x124: {  	_ =	swait.ge [sflag:s4], $0x1000  }
0x125: {  	[sflag:s4] =	ssyncset.done $0x0  }
0x126: {  	[sflag:s4] =	ssyncadd.s32 $0xFFFFF000  }
0x127: {  	_ =	swait.ge [sflag:s4], $0x1000  }
0x128: {  	[sflag:s4] =	ssyncset.done $0x0  }
0x129: {  	s29 =	simm.s32 $0x4;
	[sflag:s4] =	ssyncadd.s32 $0xFFFFF000  }
0x12a: {  	_ =	swait.ge [sflag:s29], $0x1000  }
0x12b: {  	[sflag:s29] =	ssyncset.done $0x0  }
0x12c: {  	[sflag:s29] =	ssyncadd.s32 $0xFFFFF000  }
0x12d: {  	_ =	swait.ge [sflag:s29], $0x1000  }
0x12e: {  	[sflag:s29] =	ssyncset.done $0x0  }
0x12f: {  	[sflag:s29] =	ssyncadd.s32 $0xFFFFF000  }
0x130: {  	_ =	swait.ge [sflag:s29], $0x1000  }
0x131: {  	[sflag:s29] =	ssyncset.done $0x0  }
0x132: {  	[sflag:s29] =	ssyncadd.s32 $0xFFFFF000  }
0x133: {  	_ =	swait.ge [sflag:s29], $0x1000  }
0x134: {  	[sflag:s29] =	ssyncset.done $0x0  }
0x135: {  	[sflag:s29] =	ssyncadd.s32 $0xFFFFF000  }
0x136: {  	_ =	swait.ge [sflag:s29], $0x1000  }
0x137: {  	[sflag:s29] =	ssyncset.done $0x0  }
0x138: {  	[sflag:s29] =	ssyncadd.s32 $0xFFFFF000  }
0x139: {  	s6 =	simm.s32 $0x12500;
	s30 =	rddreg [dreg:$0x12];
	[tilespmem:$0x12500] =	vst v0  }
0x13a: {  	[hbm4b:s30+s14] =	stream.linear.scatter [tilespmem:s6], [sflag:$0x5], $0x80, $0x38;
	[tilespmem:$0x12580] =	vst v63  }
0x13b: {  	s6 =	simm.s32 $0x5  }
0x13c: {  	_ =	swait.ge [sflag:s6], $0x80  }
0x13d: {  	s7 =	rddreg [dreg:$0x14]  }
0x13e: {  	s31 =	rddreg [dreg:$0x13];
	s7 =	sadd.s32 $0x1, s7  }
0x13f: {  	p0 =	sne.s32 s7, s31  }
.Ltmp3:
0x140: {  	_ = 	snop;
	(pc) =	sbr.rel @p0 .LBB2_1-.Ltmp3, $3  }
0x141: {  	_ =	sdelay $0x1  }
0x142: {  	[sflag:s6] =	ssyncset.done $0x0  }
0x143: {  	[sflag:s6] =	ssyncadd.s32 $0xFFFFFF80  }
0x144: {  	_ =	sfence.sel $0x180000  }
0x145: {  	[bflag:$0x0] =	sbarrier.arrive $0xFFFF  }
0x146: {  	_ =	strace $0x90000047  }
0x147: {  	s0 =	stileid.u32;
	[bflag:$0x2] =	sbarrier.arrive $0xFFFF  }
0x148: {  	p0 =	sne.s32 s0, $0x0;
	s0 =	rddreg [dreg:$0xd]  }
0x149: {  	s0 =	sadd.s32 @!p0 $0x100000, s0  }
0x14a: {  	[sflag:s0] =	ssyncadd.tile.s32 @!p0 $0x1;
	_ =	shalt  }
.Lfunc_end2:
_tile_overlayer_lowered:
.L_overlay_start_2:
0x14b: {  	(tag) =	ssettag $0x2  }
0x14c: {  	s0 =	rddreg [dreg:$0x0];
	s2 =	stileid.u32  }
0x14d: {  	s1 =	rddreg [dreg:$0x1];
	p0 =	sne.s32 s2, $0x0  }
0x14e: {  	s3 =	rddreg [dreg:$0x2];
	[bflag:$0x3] =	sbarrier.arrive $0xFFFF;
	s2 =	simm.s32 @!p0 $0x1C05  }
0x14f: {  	[timem:s3], [sflag:s2] =	dma.local @!p0 [hbm:s0], s1  }
0x150: {  	s0 =	simm.s32 @!p0 $0x5  }
0x151: {  	_ =	swait.ge @!p0 [sflag:s0], s1  }
0x152: {  	s1 =	ssub.s32 @!p0 $0x0, s1;
	[sflag:s0] =	ssyncset.done @!p0 $0x0  }
0x153: {  	[sflag:s0] =	ssyncadd.s32 @!p0 s1  }
0x154: {  	[bflag:$0x3] =	sbarrier.arrive $0xFFFF  }
0x155: {  	_ =	shalt  }

</sc_bundles>
